<compile_context>
chip_gen: v7x
topology: tpu7x:2x2x1
jax: 0.10.2.dev20260603
libtpu: 0.0.44.dev20260713+nightly
codegen_flags: <defaults>
</compile_context>

<pallas_src>
import jax
import jax.numpy as jnp
from jax import lax
from jax.experimental import pallas as pl
from jax.experimental.pallas import tpu as pltpu
from jax.experimental.pallas import tpu_sc as plsc

_N = 10000
_E = 320000
_EMB = 128
_HID = 128
_DEPTH = 3
_LAYERS = 2

_NC = 2
_NS = 16
_NW = _NC * _NS
_EPW = _E // _NW
_CH = 80
_NCHUNK = _EPW // _CH
_NPAD = 10240
_RPT = _NPAD // _NS

_BLK = 2000


def _sc_segment_sum(h, src_w, dst_w, zeros):
    mesh = plsc.VectorSubcoreMesh(core_axis_name="c", subcore_axis_name="s")

    def body(h_hbm, src_hbm, dst_hbm, zero_hbm, out_hbm,
             src_v, dst_v, rows_v, m_sh, sem):
        c = lax.axis_index("c")
        s = lax.axis_index("s")
        wid = c * _NS + s
        pltpu.sync_copy(zero_hbm.at[pl.ds(s * _RPT, _RPT)],
                        m_sh.at[pl.ds(s * _RPT, _RPT)])
        pltpu.sync_copy(src_hbm.at[wid], src_v)
        pltpu.sync_copy(dst_hbm.at[wid], dst_v)
        plsc.subcore_barrier()

        def chunk(j, carry):
            pltpu.async_copy(h_hbm.at[src_v.at[j]], rows_v, sem).wait()
            pltpu.sync_copy(rows_v, m_sh.at[dst_v.at[j]], add=True)
            return carry

        lax.fori_loop(0, _NCHUNK, chunk, 0)
        plsc.subcore_barrier()
        pltpu.sync_copy(m_sh.at[pl.ds(s * _RPT, _RPT)],
                        out_hbm.at[c, pl.ds(s * _RPT, _RPT)])

    f = pl.kernel(
        body,
        out_type=jax.ShapeDtypeStruct((_NC, _NPAD, _HID), jnp.float32),
        mesh=mesh,
        scratch_types=[
            pltpu.VMEM((_NCHUNK, _CH), jnp.int32),
            pltpu.VMEM((_NCHUNK, _CH), jnp.int32),
            pltpu.VMEM((_CH, _HID), jnp.float32),
            pltpu.VMEM_SHARED((_NPAD, _HID), jnp.float32),
            pltpu.SemaphoreType.DMA,
        ],
    )
    return f(h, src_w, dst_w, zeros)


def _tc_proj(z, W_proj, b_proj):
    def body(z_ref, w_ref, b_ref, o_ref):
        o_ref[...] = (jnp.dot(z_ref[...], w_ref[...],
                              preferred_element_type=jnp.float32)
                      + b_ref[...])

    return pl.pallas_call(
        body,
        grid=(_N // _BLK,),
        in_specs=[
            pl.BlockSpec((_BLK, _EMB), lambda i: (i, 0)),
            pl.BlockSpec((_EMB, _HID), lambda i: (0, 0)),
            pl.BlockSpec((1, _HID), lambda i: (0, 0)),
        ],
        out_specs=pl.BlockSpec((_BLK, _HID), lambda i: (i, 0)),
        out_shape=jax.ShapeDtypeStruct((_N, _HID), jnp.float32),
    )(z, W_proj, b_proj.reshape(1, _HID))


def _tc_gru(m2, h, Wi, Wh, bi, bh, head=None):

    def body(m_ref, h_ref, wi_ref, wh_ref, bi_ref, bh_ref, *rest):
        inp = m_ref[0] + m_ref[1]
        hcur = h_ref[...]
        for l in range(_LAYERS):
            gi = (jnp.dot(inp, wi_ref[l], preferred_element_type=jnp.float32)
                  + bi_ref[l])
            gh = (jnp.dot(hcur, wh_ref[l], preferred_element_type=jnp.float32)
                  + bh_ref[l])
            r = jax.nn.sigmoid(gi[:, :_HID] + gh[:, :_HID])
            zg = jax.nn.sigmoid(gi[:, _HID:2 * _HID] + gh[:, _HID:2 * _HID])
            n = jnp.tanh(gi[:, 2 * _HID:] + r * gh[:, 2 * _HID:])
            hcur = (1.0 - zg) * n + zg * hcur
            inp = hcur
        if head is None:
            rest[-1][...] = hcur
        else:
            wo_ref, bo_ref, o_ref = rest
            o_ref[...] = (jnp.dot(jnp.tanh(hcur), wo_ref[...],
                                  preferred_element_type=jnp.float32)
                          + bo_ref[...])

    in_specs = [
        pl.BlockSpec((_NC, _BLK, _HID), lambda i: (0, i, 0)),
        pl.BlockSpec((_BLK, _HID), lambda i: (i, 0)),
        pl.BlockSpec((_LAYERS, _HID, 3 * _HID), lambda i: (0, 0, 0)),
        pl.BlockSpec((_LAYERS, _HID, 3 * _HID), lambda i: (0, 0, 0)),
        pl.BlockSpec((_LAYERS, 3 * _HID), lambda i: (0, 0)),
        pl.BlockSpec((_LAYERS, 3 * _HID), lambda i: (0, 0)),
    ]
    args = [m2, h, Wi, Wh, bi, bh]
    if head is None:
        out_specs = pl.BlockSpec((_BLK, _HID), lambda i: (i, 0))
        out_shape = jax.ShapeDtypeStruct((_N, _HID), jnp.float32)
    else:
        W_out, b_out = head
        in_specs += [
            pl.BlockSpec((_HID, 1), lambda i: (0, 0)),
            pl.BlockSpec((1, 1), lambda i: (0, 0)),
        ]
        args += [W_out, b_out.reshape(1, 1)]
        out_specs = pl.BlockSpec((_BLK, 1), lambda i: (i, 0))
        out_shape = jax.ShapeDtypeStruct((_N, 1), jnp.float32)

    return pl.pallas_call(
        body,
        grid=(_N // _BLK,),
        in_specs=in_specs,
        out_specs=out_specs,
        out_shape=out_shape,
    )(*args)


def kernel(z, edge_index, W_proj, b_proj, Wi, Wh, bi, bh, W_out, b_out):
    src_w = edge_index[0].reshape(_NW, _NCHUNK, _CH)
    dst_w = edge_index[1].reshape(_NW, _NCHUNK, _CH)
    zeros = jnp.zeros((_NPAD, _HID), jnp.float32)
    h = _tc_proj(z, W_proj, b_proj)
    for d in range(_DEPTH):
        m2 = _sc_segment_sum(h, src_w, dst_w, zeros)
        if d < _DEPTH - 1:
            h = _tc_gru(m2, h, Wi, Wh, bi, bh)
    return _tc_gru(m2, h, Wi, Wh, bi, bh, head=(W_out, b_out))

# --- scband reference (transcript-rebuilt; emitter-appended) ---
"""Pipeline reference for scband-tree-grudiscriminator-26328149525043 (READ-ONLY COPY).

The authoritative reference and input builder live on the scoring server;
editing this copy changes nothing except your own understanding.
"""

import jax, jax.numpy as jnp
import numpy as np

N = 10000
E = 320000
EMB = 128
HID = 128
DEPTH = 3
LAYERS = 2


def setup_inputs(seed: int = 0) -> dict:
    key = jax.random.key(seed)
    ks = jax.random.split(key, 12)
    z = jax.random.normal(ks[0], (N, EMB), dtype=jnp.float32)
    edge_index = jax.random.randint(ks[1], (2, E), 0, N, dtype=jnp.int32)
    s_in = 1.0 / np.sqrt(EMB)
    s_h = 1.0 / np.sqrt(HID)
    W_proj = jax.random.normal(ks[2], (EMB, HID), dtype=jnp.float32) * s_in
    b_proj = jnp.zeros((HID,), dtype=jnp.float32)
    Wi = jax.random.normal(ks[3], (LAYERS, HID, 3 * HID), dtype=jnp.float32) * s_h
    Wh = jax.random.normal(ks[4], (LAYERS, HID, 3 * HID), dtype=jnp.float32) * s_h
    bi = jnp.zeros((LAYERS, 3 * HID), dtype=jnp.float32)
    bh = jnp.zeros((LAYERS, 3 * HID), dtype=jnp.float32)
    W_out = jax.random.normal(ks[5], (HID, 1), dtype=jnp.float32) * s_h
    b_out = jnp.zeros((1,), dtype=jnp.float32)
    return {"z": z, "edge_index": edge_index, "W_proj": W_proj, "b_proj": b_proj,
            "Wi": Wi, "Wh": Wh, "bi": bi, "bh": bh, "W_out": W_out, "b_out": b_out}


def _gru_cell(x, h, wi, wh, bi_, bh_):
    gi = x @ wi + bi_
    gh = h @ wh + bh_
    i_r, i_z, i_n = jnp.split(gi, 3, axis=-1)
    h_r, h_z, h_n = jnp.split(gh, 3, axis=-1)
    r = jax.nn.sigmoid(i_r + h_r)
    zg = jax.nn.sigmoid(i_z + h_z)
    n = jnp.tanh(i_n + r * h_n)
    return (1.0 - zg) * n + zg * h


def reference(z, edge_index, W_proj, b_proj, Wi, Wh, bi, bh, W_out, b_out):
    # TreeGRUConv: project node embeddings to hidden, then `depth` rounds of
    # neighbor aggregation (scatter-add along dst) each followed by a
    # `gru_layers`-deep stack of GRU cell updates of per-node hidden state.
    h = z @ W_proj + b_proj
    src = edge_index[0]
    dst = edge_index[1]
    for _ in range(DEPTH):
        msg = jnp.take(h, src, axis=0)              # gather over edges
        m = jax.ops.segment_sum(msg, dst, num_segments=N)  # scatter-add
        inp = m
        for l in range(LAYERS):
            h = _gru_cell(inp, h, Wi[l], Wh[l], bi[l], bh[l])
            inp = h
    # Discriminator head: Tanh -> Linear(hidden, 1)
    out = jnp.tanh(h) @ W_out + b_out
    return out

if __name__ == "__main__":
    import jax
    _d = setup_inputs()
    print(jax.jit(kernel)(*tuple(_d.values())))

</pallas_src>

<mosaic_0001>
#map = affine_map<(d0, d1) -> (0, 0)>
#map1 = affine_map<(d0, d1) -> (0, 0, 0)>
module attributes {stable_mosaic.version = 14 : i64} {
  func.func @body(%arg0: i32, %arg1: i32, %arg2: memref<10000x128xf32, #tpu.memory_space<hbm>>, %arg3: memref<32x125x80xi32, #tpu.memory_space<hbm>>, %arg4: memref<32x125x80xi32, #tpu.memory_space<hbm>>, %arg5: memref<10240x128xf32, #tpu.memory_space<hbm>>, %arg6: memref<2x10240x128xf32, #tpu.memory_space<hbm>>, %arg7: memref<125x80xi32, #tpu.memory_space<vmem>>, %arg8: memref<125x80xi32, #tpu.memory_space<vmem>>, %arg9: memref<80x128xf32, #tpu.memory_space<vmem>>, %arg10: memref<10240x128xf32, #tpu.memory_space<vmem_shared>>, %arg11: memref<!tpu.dma_semaphore, #tpu.memory_space<semaphore_mem>>) attributes {dimension_semantics = [#tpu.dimension_semantics<core_parallel>, #tpu.dimension_semantics<subcore_parallel>], iteration_bounds = array<i64: 2, 16>, scalar_prefetch = 0 : i64, scratch_operands = 5 : i64, tpu.core_type = #tpu.core_type<sc_vector_subcore>, window_params = [{transform_indices = #map}, {transform_indices = #map1}, {transform_indices = #map1}, {transform_indices = #map}, {transform_indices = #map1}]} {
    %mul3A = arith.constant 16 : i32
    %mul3A_0 = arith.muli %arg0, %mul3A : i32
    %add3A = arith.addi %mul3A_0, %arg1 : i32
    %mul3A_1 = arith.constant 640 : i32
    %mul3A_2 = arith.muli %arg1, %mul3A_1 : i32
    %mul3A_3 = arith.constant 640 : i32
    %mul3A_4 = arith.muli %arg1, %mul3A_3 : i32
    "tpu.region"() ({
      %run_scoped3A = tpu.sem_alloc : memref<!tpu.dma_semaphore, #tpu.memory_space<semaphore_mem>>
      %dma_start3A = arith.constant 0 : i32
      %dma_start3A_15 = tpu.memref_slice %arg10[%mul3A_4, %dma_start3A] : memref<10240x128xf32, #tpu.memory_space<vmem_shared>> -> memref<640x128xf32, #tpu.memory_space<vmem_shared>>
      %dma_start3A_16 = arith.constant 0 : i32
      %dma_start3A_17 = tpu.memref_slice %arg5[%mul3A_2, %dma_start3A_16] : memref<10240x128xf32, #tpu.memory_space<hbm>> -> memref<640x128xf32, #tpu.memory_space<hbm>>
      tpu.enqueue_dma source(%dma_start3A_17 : memref<640x128xf32, #tpu.memory_space<hbm>>) target(%dma_start3A_15 : memref<640x128xf32, #tpu.memory_space<vmem_shared>>) target_semaphore(%run_scoped3A : memref<!tpu.dma_semaphore, #tpu.memory_space<semaphore_mem>>)
      %dma_wait3A = arith.constant 0 : i32
      %dma_wait3A_18 = tpu.memref_slice %arg10[%mul3A_4, %dma_wait3A] : memref<10240x128xf32, #tpu.memory_space<vmem_shared>> -> memref<640x128xf32, #tpu.memory_space<vmem_shared>>
      %dma_wait3A_19 = arith.constant 0 : i32
      %dma_wait3A_20 = tpu.memref_slice %arg5[%mul3A_2, %dma_wait3A_19] : memref<10240x128xf32, #tpu.memory_space<hbm>> -> memref<640x128xf32, #tpu.memory_space<hbm>>
      tpu.wait_dma2 semaphore(%run_scoped3A : memref<!tpu.dma_semaphore, #tpu.memory_space<semaphore_mem>>) src(%dma_wait3A_20 : memref<640x128xf32, #tpu.memory_space<hbm>>) dst(%dma_wait3A_18 : memref<640x128xf32, #tpu.memory_space<vmem_shared>>)
      tpu.yield
    }) : () -> ()
    "tpu.region"() ({
      %run_scoped3A = tpu.sem_alloc : memref<!tpu.dma_semaphore, #tpu.memory_space<semaphore_mem>>
      %dma_start3A = arith.constant 0 : i32
      %dma_start3A_15 = arith.constant 0 : i32
      %dma_start3A_16 = tpu.memref_slice %arg3[%add3A, %dma_start3A, %dma_start3A_15] : memref<32x125x80xi32, #tpu.memory_space<hbm>> -> memref<1x125x80xi32, #tpu.memory_space<hbm>>
      %dma_start3A_17 = tpu.memref_squeeze %dma_start3A_16 : memref<1x125x80xi32, #tpu.memory_space<hbm>> -> memref<125x80xi32, #tpu.memory_space<hbm>>
      %dma_start3A_18 = arith.constant 0 : i32
      %dma_start3A_19 = arith.constant 0 : i32
      %dma_start3A_20 = tpu.memref_slice %arg3[%add3A, %dma_start3A_18, %dma_start3A_19] : memref<32x125x80xi32, #tpu.memory_space<hbm>> -> memref<1x125x80xi32, #tpu.memory_space<hbm>>
      %dma_start3A_21 = tpu.memref_squeeze %dma_start3A_20 : memref<1x125x80xi32, #tpu.memory_space<hbm>> -> memref<125x80xi32, #tpu.memory_space<hbm>>
      tpu.enqueue_dma source(%dma_start3A_21 : memref<125x80xi32, #tpu.memory_space<hbm>>) target(%arg7 : memref<125x80xi32, #tpu.memory_space<vmem>>) target_semaphore(%run_scoped3A : memref<!tpu.dma_semaphore, #tpu.memory_space<semaphore_mem>>)
      %dma_wait3A = arith.constant 0 : i32
      %dma_wait3A_22 = arith.constant 0 : i32
      %dma_wait3A_23 = tpu.memref_slice %arg3[%add3A, %dma_wait3A, %dma_wait3A_22] : memref<32x125x80xi32, #tpu.memory_space<hbm>> -> memref<1x125x80xi32, #tpu.memory_space<hbm>>
      %dma_wait3A_24 = tpu.memref_squeeze %dma_wait3A_23 : memref<1x125x80xi32, #tpu.memory_space<hbm>> -> memref<125x80xi32, #tpu.memory_space<hbm>>
      %dma_wait3A_25 = arith.constant 0 : i32
      %dma_wait3A_26 = arith.constant 0 : i32
      %dma_wait3A_27 = tpu.memref_slice %arg3[%add3A, %dma_wait3A_25, %dma_wait3A_26] : memref<32x125x80xi32, #tpu.memory_space<hbm>> -> memref<1x125x80xi32, #tpu.memory_space<hbm>>
      %dma_wait3A_28 = tpu.memref_squeeze %dma_wait3A_27 : memref<1x125x80xi32, #tpu.memory_space<hbm>> -> memref<125x80xi32, #tpu.memory_space<hbm>>
      tpu.wait_dma2 semaphore(%run_scoped3A : memref<!tpu.dma_semaphore, #tpu.memory_space<semaphore_mem>>) src(%dma_wait3A_28 : memref<125x80xi32, #tpu.memory_space<hbm>>) dst(%arg7 : memref<125x80xi32, #tpu.memory_space<vmem>>)
      tpu.yield
    }) : () -> ()
    "tpu.region"() ({
      %run_scoped3A = tpu.sem_alloc : memref<!tpu.dma_semaphore, #tpu.memory_space<semaphore_mem>>
      %dma_start3A = arith.constant 0 : i32
      %dma_start3A_15 = arith.constant 0 : i32
      %dma_start3A_16 = tpu.memref_slice %arg4[%add3A, %dma_start3A, %dma_start3A_15] : memref<32x125x80xi32, #tpu.memory_space<hbm>> -> memref<1x125x80xi32, #tpu.memory_space<hbm>>
      %dma_start3A_17 = tpu.memref_squeeze %dma_start3A_16 : memref<1x125x80xi32, #tpu.memory_space<hbm>> -> memref<125x80xi32, #tpu.memory_space<hbm>>
      %dma_start3A_18 = arith.constant 0 : i32
      %dma_start3A_19 = arith.constant 0 : i32
      %dma_start3A_20 = tpu.memref_slice %arg4[%add3A, %dma_start3A_18, %dma_start3A_19] : memref<32x125x80xi32, #tpu.memory_space<hbm>> -> memref<1x125x80xi32, #tpu.memory_space<hbm>>
      %dma_start3A_21 = tpu.memref_squeeze %dma_start3A_20 : memref<1x125x80xi32, #tpu.memory_space<hbm>> -> memref<125x80xi32, #tpu.memory_space<hbm>>
      tpu.enqueue_dma source(%dma_start3A_21 : memref<125x80xi32, #tpu.memory_space<hbm>>) target(%arg8 : memref<125x80xi32, #tpu.memory_space<vmem>>) target_semaphore(%run_scoped3A : memref<!tpu.dma_semaphore, #tpu.memory_space<semaphore_mem>>)
      %dma_wait3A = arith.constant 0 : i32
      %dma_wait3A_22 = arith.constant 0 : i32
      %dma_wait3A_23 = tpu.memref_slice %arg4[%add3A, %dma_wait3A, %dma_wait3A_22] : memref<32x125x80xi32, #tpu.memory_space<hbm>> -> memref<1x125x80xi32, #tpu.memory_space<hbm>>
      %dma_wait3A_24 = tpu.memref_squeeze %dma_wait3A_23 : memref<1x125x80xi32, #tpu.memory_space<hbm>> -> memref<125x80xi32, #tpu.memory_space<hbm>>
      %dma_wait3A_25 = arith.constant 0 : i32
      %dma_wait3A_26 = arith.constant 0 : i32
      %dma_wait3A_27 = tpu.memref_slice %arg4[%add3A, %dma_wait3A_25, %dma_wait3A_26] : memref<32x125x80xi32, #tpu.memory_space<hbm>> -> memref<1x125x80xi32, #tpu.memory_space<hbm>>
      %dma_wait3A_28 = tpu.memref_squeeze %dma_wait3A_27 : memref<1x125x80xi32, #tpu.memory_space<hbm>> -> memref<125x80xi32, #tpu.memory_space<hbm>>
      tpu.wait_dma2 semaphore(%run_scoped3A : memref<!tpu.dma_semaphore, #tpu.memory_space<semaphore_mem>>) src(%dma_wait3A_28 : memref<125x80xi32, #tpu.memory_space<hbm>>) dst(%arg8 : memref<125x80xi32, #tpu.memory_space<vmem>>)
      tpu.yield
    }) : () -> ()
    %barrier3A = arith.constant 0 : index
    tpu.barrier barrier_id(%barrier3A)
    %scan3A = arith.constant 0 : i32
    %scan3A_5 = arith.constant 0 : i32
    %scan3A_6 = arith.constant 125 : i32
    %scan3A_7 = arith.addi %scan3A_5, %scan3A_6 : i32
    %scan3A_8 = arith.constant 1 : i32
    scf.for %scan3A_15 = %scan3A_5 to %scan3A_7 step %scan3A_8  : i32 {
      %dma_start3A = arith.constant 0 : i32
      %dma_start3A_16 = tpu.memref_slice %arg7[%scan3A_15, %dma_start3A] : memref<125x80xi32, #tpu.memory_space<vmem>> -> memref<1x80xi32, #tpu.memory_space<vmem>>
      %dma_start3A_17 = tpu.memref_squeeze %dma_start3A_16 : memref<1x80xi32, #tpu.memory_space<vmem>> -> memref<80xi32, #tpu.memory_space<vmem>>
      %dma_start3A_18 = arith.constant 0 : i32
      %dma_start3A_19 = arith.constant 0 : i32
      %dma_start3A_20 = tpu.memref_slice %arg2[%dma_start3A_18, %dma_start3A_19] : memref<10000x128xf32, #tpu.memory_space<hbm>> -> memref<10000x128xf32, #tpu.memory_space<hbm>>
      tpu.enqueue_indirect_dma source(%dma_start3A_20 : memref<10000x128xf32, #tpu.memory_space<hbm>>) target(%arg9 : memref<80x128xf32, #tpu.memory_space<vmem>>) offsets(%dma_start3A_17 : memref<80xi32, #tpu.memory_space<vmem>>) semaphore(%arg11 : memref<!tpu.dma_semaphore, #tpu.memory_space<semaphore_mem>>)
      %dma_wait3A = arith.constant 0 : i32
      %dma_wait3A_21 = tpu.memref_slice %arg7[%scan3A_15, %dma_wait3A] : memref<125x80xi32, #tpu.memory_space<vmem>> -> memref<1x80xi32, #tpu.memory_space<vmem>>
      %dma_wait3A_22 = tpu.memref_squeeze %dma_wait3A_21 : memref<1x80xi32, #tpu.memory_space<vmem>> -> memref<80xi32, #tpu.memory_space<vmem>>
      %dma_wait3A_23 = arith.constant 0 : i32
      %dma_wait3A_24 = arith.constant 0 : i32
      %dma_wait3A_25 = tpu.memref_slice %arg2[%dma_wait3A_23, %dma_wait3A_24] : memref<10000x128xf32, #tpu.memory_space<hbm>> -> memref<10000x128xf32, #tpu.memory_space<hbm>>
      tpu.wait_indirect_dma semaphore(%arg11 : memref<!tpu.dma_semaphore, #tpu.memory_space<semaphore_mem>>) src(%dma_wait3A_25 : memref<10000x128xf32, #tpu.memory_space<hbm>>) dst(%arg9 : memref<80x128xf32, #tpu.memory_space<vmem>>)
      "tpu.region"() ({
        %run_scoped3A = tpu.sem_alloc : memref<!tpu.dma_semaphore, #tpu.memory_space<semaphore_mem>>
        %dma_start3A_26 = arith.constant 0 : i32
        %dma_start3A_27 = tpu.memref_slice %arg8[%scan3A_15, %dma_start3A_26] : memref<125x80xi32, #tpu.memory_space<vmem>> -> memref<1x80xi32, #tpu.memory_space<vmem>>
        %dma_start3A_28 = tpu.memref_squeeze %dma_start3A_27 : memref<1x80xi32, #tpu.memory_space<vmem>> -> memref<80xi32, #tpu.memory_space<vmem>>
        %dma_start3A_29 = arith.constant 0 : i32
        %dma_start3A_30 = arith.constant 0 : i32
        %dma_start3A_31 = tpu.memref_slice %arg10[%dma_start3A_29, %dma_start3A_30] : memref<10240x128xf32, #tpu.memory_space<vmem_shared>> -> memref<10240x128xf32, #tpu.memory_space<vmem_shared>>
        tpu.enqueue_indirect_dma source(%arg9 : memref<80x128xf32, #tpu.memory_space<vmem>>) target(%dma_start3A_31 : memref<10240x128xf32, #tpu.memory_space<vmem_shared>>) offsets(%dma_start3A_28 : memref<80xi32, #tpu.memory_space<vmem>>) semaphore(%run_scoped3A : memref<!tpu.dma_semaphore, #tpu.memory_space<semaphore_mem>>) {add = true}
        %dma_wait3A_32 = arith.constant 0 : i32
        %dma_wait3A_33 = tpu.memref_slice %arg8[%scan3A_15, %dma_wait3A_32] : memref<125x80xi32, #tpu.memory_space<vmem>> -> memref<1x80xi32, #tpu.memory_space<vmem>>
        %dma_wait3A_34 = tpu.memref_squeeze %dma_wait3A_33 : memref<1x80xi32, #tpu.memory_space<vmem>> -> memref<80xi32, #tpu.memory_space<vmem>>
        %dma_wait3A_35 = arith.constant 0 : i32
        %dma_wait3A_36 = arith.constant 0 : i32
        %dma_wait3A_37 = tpu.memref_slice %arg10[%dma_wait3A_35, %dma_wait3A_36] : memref<10240x128xf32, #tpu.memory_space<vmem_shared>> -> memref<10240x128xf32, #tpu.memory_space<vmem_shared>>
        tpu.wait_indirect_dma semaphore(%run_scoped3A : memref<!tpu.dma_semaphore, #tpu.memory_space<semaphore_mem>>) src(%arg9 : memref<80x128xf32, #tpu.memory_space<vmem>>) dst(%dma_wait3A_37 : memref<10240x128xf32, #tpu.memory_space<vmem_shared>>)
        tpu.yield
      }) : () -> ()
    }
    %scan3A_9 = arith.constant 125 : i32
    %barrier3A_10 = arith.constant 0 : index
    tpu.barrier barrier_id(%barrier3A_10)
    %mul3A_11 = arith.constant 640 : i32
    %mul3A_12 = arith.muli %arg1, %mul3A_11 : i32
    %mul3A_13 = arith.constant 640 : i32
    %mul3A_14 = arith.muli %arg1, %mul3A_13 : i32
    "tpu.region"() ({
      %run_scoped3A = tpu.sem_alloc : memref<!tpu.dma_semaphore, #tpu.memory_space<semaphore_mem>>
      %dma_start3A = arith.constant 0 : i32
      %dma_start3A_15 = tpu.memref_slice %arg6[%arg0, %mul3A_14, %dma_start3A] : memref<2x10240x128xf32, #tpu.memory_space<hbm>> -> memref<1x640x128xf32, #tpu.memory_space<hbm>>
      %dma_start3A_16 = tpu.memref_squeeze %dma_start3A_15 : memref<1x640x128xf32, #tpu.memory_space<hbm>> -> memref<640x128xf32, #tpu.memory_space<hbm>>
      %dma_start3A_17 = arith.constant 0 : i32
      %dma_start3A_18 = tpu.memref_slice %arg10[%mul3A_12, %dma_start3A_17] : memref<10240x128xf32, #tpu.memory_space<vmem_shared>> -> memref<640x128xf32, #tpu.memory_space<vmem_shared>>
      tpu.enqueue_dma source(%dma_start3A_18 : memref<640x128xf32, #tpu.memory_space<vmem_shared>>) target(%dma_start3A_16 : memref<640x128xf32, #tpu.memory_space<hbm>>) target_semaphore(%run_scoped3A : memref<!tpu.dma_semaphore, #tpu.memory_space<semaphore_mem>>)
      %dma_wait3A = arith.constant 0 : i32
      %dma_wait3A_19 = tpu.memref_slice %arg6[%arg0, %mul3A_14, %dma_wait3A] : memref<2x10240x128xf32, #tpu.memory_space<hbm>> -> memref<1x640x128xf32, #tpu.memory_space<hbm>>
      %dma_wait3A_20 = tpu.memref_squeeze %dma_wait3A_19 : memref<1x640x128xf32, #tpu.memory_space<hbm>> -> memref<640x128xf32, #tpu.memory_space<hbm>>
      %dma_wait3A_21 = arith.constant 0 : i32
      %dma_wait3A_22 = tpu.memref_slice %arg10[%mul3A_12, %dma_wait3A_21] : memref<10240x128xf32, #tpu.memory_space<vmem_shared>> -> memref<640x128xf32, #tpu.memory_space<vmem_shared>>
      tpu.wait_dma2 semaphore(%run_scoped3A : memref<!tpu.dma_semaphore, #tpu.memory_space<semaphore_mem>>) src(%dma_wait3A_22 : memref<640x128xf32, #tpu.memory_space<vmem_shared>>) dst(%dma_wait3A_20 : memref<640x128xf32, #tpu.memory_space<hbm>>)
      tpu.yield
    }) : () -> ()
    return
  }
}

#map = affine_map<(d0, d1) -> (0, 0)>
#map1 = affine_map<(d0, d1) -> (0, 0, 0)>
module attributes {stable_mosaic.version = 14 : i64} {
  func.func @body(%arg0: i32, %arg1: i32, %arg2: memref<10000x128xf32, #tpu.memory_space<hbm>>, %arg3: memref<32x125x80xi32, #tpu.memory_space<hbm>>, %arg4: memref<32x125x80xi32, #tpu.memory_space<hbm>>, %arg5: memref<10240x128xf32, #tpu.memory_space<hbm>>, %arg6: memref<2x10240x128xf32, #tpu.memory_space<hbm>>, %arg7: memref<125x80xi32, #tpu.memory_space<vmem>>, %arg8: memref<125x80xi32, #tpu.memory_space<vmem>>, %arg9: memref<80x128xf32, #tpu.memory_space<vmem>>, %arg10: memref<10240x128xf32, #tpu.memory_space<vmem_shared>>, %arg11: memref<!tpu.dma_semaphore, #tpu.memory_space<semaphore_mem>>) attributes {dimension_semantics = [#tpu.dimension_semantics<core_parallel>, #tpu.dimension_semantics<subcore_parallel>], iteration_bounds = array<i64: 2, 16>, scalar_prefetch = 0 : i64, scratch_operands = 5 : i64, tpu.core_type = #tpu.core_type<sc_vector_subcore>, window_params = [{transform_indices = #map}, {transform_indices = #map1}, {transform_indices = #map1}, {transform_indices = #map}, {transform_indices = #map1}]} {
    %mul3A = arith.constant 16 : i32
    %mul3A_0 = arith.muli %arg0, %mul3A : i32
    %add3A = arith.addi %mul3A_0, %arg1 : i32
    %mul3A_1 = arith.constant 640 : i32
    %mul3A_2 = arith.muli %arg1, %mul3A_1 : i32
    %mul3A_3 = arith.constant 640 : i32
    %mul3A_4 = arith.muli %arg1, %mul3A_3 : i32
    "tpu.region"() ({
      %run_scoped3A = tpu.sem_alloc : memref<!tpu.dma_semaphore, #tpu.memory_space<semaphore_mem>>
      %dma_start3A = arith.constant 0 : i32
      %dma_start3A_15 = tpu.memref_slice %arg10[%mul3A_4, %dma_start3A] : memref<10240x128xf32, #tpu.memory_space<vmem_shared>> -> memref<640x128xf32, #tpu.memory_space<vmem_shared>>
      %dma_start3A_16 = arith.constant 0 : i32
      %dma_start3A_17 = tpu.memref_slice %arg5[%mul3A_2, %dma_start3A_16] : memref<10240x128xf32, #tpu.memory_space<hbm>> -> memref<640x128xf32, #tpu.memory_space<hbm>>
      tpu.enqueue_dma source(%dma_start3A_17 : memref<640x128xf32, #tpu.memory_space<hbm>>) target(%dma_start3A_15 : memref<640x128xf32, #tpu.memory_space<vmem_shared>>) target_semaphore(%run_scoped3A : memref<!tpu.dma_semaphore, #tpu.memory_space<semaphore_mem>>)
      %dma_wait3A = arith.constant 0 : i32
      %dma_wait3A_18 = tpu.memref_slice %arg10[%mul3A_4, %dma_wait3A] : memref<10240x128xf32, #tpu.memory_space<vmem_shared>> -> memref<640x128xf32, #tpu.memory_space<vmem_shared>>
      %dma_wait3A_19 = arith.constant 0 : i32
      %dma_wait3A_20 = tpu.memref_slice %arg5[%mul3A_2, %dma_wait3A_19] : memref<10240x128xf32, #tpu.memory_space<hbm>> -> memref<640x128xf32, #tpu.memory_space<hbm>>
      tpu.wait_dma2 semaphore(%run_scoped3A : memref<!tpu.dma_semaphore, #tpu.memory_space<semaphore_mem>>) src(%dma_wait3A_20 : memref<640x128xf32, #tpu.memory_space<hbm>>) dst(%dma_wait3A_18 : memref<640x128xf32, #tpu.memory_space<vmem_shared>>)
      tpu.yield
    }) : () -> ()
    "tpu.region"() ({
      %run_scoped3A = tpu.sem_alloc : memref<!tpu.dma_semaphore, #tpu.memory_space<semaphore_mem>>
      %dma_start3A = arith.constant 0 : i32
      %dma_start3A_15 = arith.constant 0 : i32
      %dma_start3A_16 = tpu.memref_slice %arg3[%add3A, %dma_start3A, %dma_start3A_15] : memref<32x125x80xi32, #tpu.memory_space<hbm>> -> memref<1x125x80xi32, #tpu.memory_space<hbm>>
      %dma_start3A_17 = tpu.memref_squeeze %dma_start3A_16 : memref<1x125x80xi32, #tpu.memory_space<hbm>> -> memref<125x80xi32, #tpu.memory_space<hbm>>
      %dma_start3A_18 = arith.constant 0 : i32
      %dma_start3A_19 = arith.constant 0 : i32
      %dma_start3A_20 = tpu.memref_slice %arg3[%add3A, %dma_start3A_18, %dma_start3A_19] : memref<32x125x80xi32, #tpu.memory_space<hbm>> -> memref<1x125x80xi32, #tpu.memory_space<hbm>>
      %dma_start3A_21 = tpu.memref_squeeze %dma_start3A_20 : memref<1x125x80xi32, #tpu.memory_space<hbm>> -> memref<125x80xi32, #tpu.memory_space<hbm>>
      tpu.enqueue_dma source(%dma_start3A_21 : memref<125x80xi32, #tpu.memory_space<hbm>>) target(%arg7 : memref<125x80xi32, #tpu.memory_space<vmem>>) target_semaphore(%run_scoped3A : memref<!tpu.dma_semaphore, #tpu.memory_space<semaphore_mem>>)
      %dma_wait3A = arith.constant 0 : i32
      %dma_wait3A_22 = arith.constant 0 : i32
      %dma_wait3A_23 = tpu.memref_slice %arg3[%add3A, %dma_wait3A, %dma_wait3A_22] : memref<32x125x80xi32, #tpu.memory_space<hbm>> -> memref<1x125x80xi32, #tpu.memory_space<hbm>>
      %dma_wait3A_24 = tpu.memref_squeeze %dma_wait3A_23 : memref<1x125x80xi32, #tpu.memory_space<hbm>> -> memref<125x80xi32, #tpu.memory_space<hbm>>
      %dma_wait3A_25 = arith.constant 0 : i32
      %dma_wait3A_26 = arith.constant 0 : i32
      %dma_wait3A_27 = tpu.memref_slice %arg3[%add3A, %dma_wait3A_25, %dma_wait3A_26] : memref<32x125x80xi32, #tpu.memory_space<hbm>> -> memref<1x125x80xi32, #tpu.memory_space<hbm>>
      %dma_wait3A_28 = tpu.memref_squeeze %dma_wait3A_27 : memref<1x125x80xi32, #tpu.memory_space<hbm>> -> memref<125x80xi32, #tpu.memory_space<hbm>>
      tpu.wait_dma2 semaphore(%run_scoped3A : memref<!tpu.dma_semaphore, #tpu.memory_space<semaphore_mem>>) src(%dma_wait3A_28 : memref<125x80xi32, #tpu.memory_space<hbm>>) dst(%arg7 : memref<125x80xi32, #tpu.memory_space<vmem>>)
      tpu.yield
    }) : () -> ()
    "tpu.region"() ({
      %run_scoped3A = tpu.sem_alloc : memref<!tpu.dma_semaphore, #tpu.memory_space<semaphore_mem>>
      %dma_start3A = arith.constant 0 : i32
      %dma_start3A_15 = arith.constant 0 : i32
      %dma_start3A_16 = tpu.memref_slice %arg4[%add3A, %dma_start3A, %dma_start3A_15] : memref<32x125x80xi32, #tpu.memory_space<hbm>> -> memref<1x125x80xi32, #tpu.memory_space<hbm>>
      %dma_start3A_17 = tpu.memref_squeeze %dma_start3A_16 : memref<1x125x80xi32, #tpu.memory_space<hbm>> -> memref<125x80xi32, #tpu.memory_space<hbm>>
      %dma_start3A_18 = arith.constant 0 : i32
      %dma_start3A_19 = arith.constant 0 : i32
      %dma_start3A_20 = tpu.memref_slice %arg4[%add3A, %dma_start3A_18, %dma_start3A_19] : memref<32x125x80xi32, #tpu.memory_space<hbm>> -> memref<1x125x80xi32, #tpu.memory_space<hbm>>
      %dma_start3A_21 = tpu.memref_squeeze %dma_start3A_20 : memref<1x125x80xi32, #tpu.memory_space<hbm>> -> memref<125x80xi32, #tpu.memory_space<hbm>>
      tpu.enqueue_dma source(%dma_start3A_21 : memref<125x80xi32, #tpu.memory_space<hbm>>) target(%arg8 : memref<125x80xi32, #tpu.memory_space<vmem>>) target_semaphore(%run_scoped3A : memref<!tpu.dma_semaphore, #tpu.memory_space<semaphore_mem>>)
      %dma_wait3A = arith.constant 0 : i32
      %dma_wait3A_22 = arith.constant 0 : i32
      %dma_wait3A_23 = tpu.memref_slice %arg4[%add3A, %dma_wait3A, %dma_wait3A_22] : memref<32x125x80xi32, #tpu.memory_space<hbm>> -> memref<1x125x80xi32, #tpu.memory_space<hbm>>
      %dma_wait3A_24 = tpu.memref_squeeze %dma_wait3A_23 : memref<1x125x80xi32, #tpu.memory_space<hbm>> -> memref<125x80xi32, #tpu.memory_space<hbm>>
      %dma_wait3A_25 = arith.constant 0 : i32
      %dma_wait3A_26 = arith.constant 0 : i32
      %dma_wait3A_27 = tpu.memref_slice %arg4[%add3A, %dma_wait3A_25, %dma_wait3A_26] : memref<32x125x80xi32, #tpu.memory_space<hbm>> -> memref<1x125x80xi32, #tpu.memory_space<hbm>>
      %dma_wait3A_28 = tpu.memref_squeeze %dma_wait3A_27 : memref<1x125x80xi32, #tpu.memory_space<hbm>> -> memref<125x80xi32, #tpu.memory_space<hbm>>
      tpu.wait_dma2 semaphore(%run_scoped3A : memref<!tpu.dma_semaphore, #tpu.memory_space<semaphore_mem>>) src(%dma_wait3A_28 : memref<125x80xi32, #tpu.memory_space<hbm>>) dst(%arg8 : memref<125x80xi32, #tpu.memory_space<vmem>>)
      tpu.yield
    }) : () -> ()
    %barrier3A = arith.constant 0 : index
    tpu.barrier barrier_id(%barrier3A)
    %scan3A = arith.constant 0 : i32
    %scan3A_5 = arith.constant 0 : i32
    %scan3A_6 = arith.constant 125 : i32
    %scan3A_7 = arith.addi %scan3A_5, %scan3A_6 : i32
    %scan3A_8 = arith.constant 1 : i32
    scf.for %scan3A_15 = %scan3A_5 to %scan3A_7 step %scan3A_8  : i32 {
      %dma_start3A = arith.constant 0 : i32
      %dma_start3A_16 = tpu.memref_slice %arg7[%scan3A_15, %dma_start3A] : memref<125x80xi32, #tpu.memory_space<vmem>> -> memref<1x80xi32, #tpu.memory_space<vmem>>
      %dma_start3A_17 = tpu.memref_squeeze %dma_start3A_16 : memref<1x80xi32, #tpu.memory_space<vmem>> -> memref<80xi32, #tpu.memory_space<vmem>>
      %dma_start3A_18 = arith.constant 0 : i32
      %dma_start3A_19 = arith.constant 0 : i32
      %dma_start3A_20 = tpu.memref_slice %arg2[%dma_start3A_18, %dma_start3A_19] : memref<10000x128xf32, #tpu.memory_space<hbm>> -> memref<10000x128xf32, #tpu.memory_space<hbm>>
      tpu.enqueue_indirect_dma source(%dma_start3A_20 : memref<10000x128xf32, #tpu.memory_space<hbm>>) target(%arg9 : memref<80x128xf32, #tpu.memory_space<vmem>>) offsets(%dma_start3A_17 : memref<80xi32, #tpu.memory_space<vmem>>) semaphore(%arg11 : memref<!tpu.dma_semaphore, #tpu.memory_space<semaphore_mem>>)
      %dma_wait3A = arith.constant 0 : i32
      %dma_wait3A_21 = tpu.memref_slice %arg7[%scan3A_15, %dma_wait3A] : memref<125x80xi32, #tpu.memory_space<vmem>> -> memref<1x80xi32, #tpu.memory_space<vmem>>
      %dma_wait3A_22 = tpu.memref_squeeze %dma_wait3A_21 : memref<1x80xi32, #tpu.memory_space<vmem>> -> memref<80xi32, #tpu.memory_space<vmem>>
      %dma_wait3A_23 = arith.constant 0 : i32
      %dma_wait3A_24 = arith.constant 0 : i32
      %dma_wait3A_25 = tpu.memref_slice %arg2[%dma_wait3A_23, %dma_wait3A_24] : memref<10000x128xf32, #tpu.memory_space<hbm>> -> memref<10000x128xf32, #tpu.memory_space<hbm>>
      tpu.wait_indirect_dma semaphore(%arg11 : memref<!tpu.dma_semaphore, #tpu.memory_space<semaphore_mem>>) src(%dma_wait3A_25 : memref<10000x128xf32, #tpu.memory_space<hbm>>) dst(%arg9 : memref<80x128xf32, #tpu.memory_space<vmem>>)
      "tpu.region"() ({
        %run_scoped3A = tpu.sem_alloc : memref<!tpu.dma_semaphore, #tpu.memory_space<semaphore_mem>>
        %dma_start3A_26 = arith.constant 0 : i32
        %dma_start3A_27 = tpu.memref_slice %arg8[%scan3A_15, %dma_start3A_26] : memref<125x80xi32, #tpu.memory_space<vmem>> -> memref<1x80xi32, #tpu.memory_space<vmem>>
        %dma_start3A_28 = tpu.memref_squeeze %dma_start3A_27 : memref<1x80xi32, #tpu.memory_space<vmem>> -> memref<80xi32, #tpu.memory_space<vmem>>
        %dma_start3A_29 = arith.constant 0 : i32
        %dma_start3A_30 = arith.constant 0 : i32
        %dma_start3A_31 = tpu.memref_slice %arg10[%dma_start3A_29, %dma_start3A_30] : memref<10240x128xf32, #tpu.memory_space<vmem_shared>> -> memref<10240x128xf32, #tpu.memory_space<vmem_shared>>
        tpu.enqueue_indirect_dma source(%arg9 : memref<80x128xf32, #tpu.memory_space<vmem>>) target(%dma_start3A_31 : memref<10240x128xf32, #tpu.memory_space<vmem_shared>>) offsets(%dma_start3A_28 : memref<80xi32, #tpu.memory_space<vmem>>) semaphore(%run_scoped3A : memref<!tpu.dma_semaphore, #tpu.memory_space<semaphore_mem>>) {add = true}
        %dma_wait3A_32 = arith.constant 0 : i32
        %dma_wait3A_33 = tpu.memref_slice %arg8[%scan3A_15, %dma_wait3A_32] : memref<125x80xi32, #tpu.memory_space<vmem>> -> memref<1x80xi32, #tpu.memory_space<vmem>>
        %dma_wait3A_34 = tpu.memref_squeeze %dma_wait3A_33 : memref<1x80xi32, #tpu.memory_space<vmem>> -> memref<80xi32, #tpu.memory_space<vmem>>
        %dma_wait3A_35 = arith.constant 0 : i32
        %dma_wait3A_36 = arith.constant 0 : i32
        %dma_wait3A_37 = tpu.memref_slice %arg10[%dma_wait3A_35, %dma_wait3A_36] : memref<10240x128xf32, #tpu.memory_space<vmem_shared>> -> memref<10240x128xf32, #tpu.memory_space<vmem_shared>>
        tpu.wait_indirect_dma semaphore(%run_scoped3A : memref<!tpu.dma_semaphore, #tpu.memory_space<semaphore_mem>>) src(%arg9 : memref<80x128xf32, #tpu.memory_space<vmem>>) dst(%dma_wait3A_37 : memref<10240x128xf32, #tpu.memory_space<vmem_shared>>)
        tpu.yield
      }) : () -> ()
    }
    %scan3A_9 = arith.constant 125 : i32
    %barrier3A_10 = arith.constant 0 : index
    tpu.barrier barrier_id(%barrier3A_10)
    %mul3A_11 = arith.constant 640 : i32
    %mul3A_12 = arith.muli %arg1, %mul3A_11 : i32
    %mul3A_13 = arith.constant 640 : i32
    %mul3A_14 = arith.muli %arg1, %mul3A_13 : i32
    "tpu.region"() ({
      %run_scoped3A = tpu.sem_alloc : memref<!tpu.dma_semaphore, #tpu.memory_space<semaphore_mem>>
      %dma_start3A = arith.constant 0 : i32
      %dma_start3A_15 = tpu.memref_slice %arg6[%arg0, %mul3A_14, %dma_start3A] : memref<2x10240x128xf32, #tpu.memory_space<hbm>> -> memref<1x640x128xf32, #tpu.memory_space<hbm>>
      %dma_start3A_16 = tpu.memref_squeeze %dma_start3A_15 : memref<1x640x128xf32, #tpu.memory_space<hbm>> -> memref<640x128xf32, #tpu.memory_space<hbm>>
      %dma_start3A_17 = arith.constant 0 : i32
      %dma_start3A_18 = tpu.memref_slice %arg10[%mul3A_12, %dma_start3A_17] : memref<10240x128xf32, #tpu.memory_space<vmem_shared>> -> memref<640x128xf32, #tpu.memory_space<vmem_shared>>
      tpu.enqueue_dma source(%dma_start3A_18 : memref<640x128xf32, #tpu.memory_space<vmem_shared>>) target(%dma_start3A_16 : memref<640x128xf32, #tpu.memory_space<hbm>>) target_semaphore(%run_scoped3A : memref<!tpu.dma_semaphore, #tpu.memory_space<semaphore_mem>>)
      %dma_wait3A = arith.constant 0 : i32
      %dma_wait3A_19 = tpu.memref_slice %arg6[%arg0, %mul3A_14, %dma_wait3A] : memref<2x10240x128xf32, #tpu.memory_space<hbm>> -> memref<1x640x128xf32, #tpu.memory_space<hbm>>
      %dma_wait3A_20 = tpu.memref_squeeze %dma_wait3A_19 : memref<1x640x128xf32, #tpu.memory_space<hbm>> -> memref<640x128xf32, #tpu.memory_space<hbm>>
      %dma_wait3A_21 = arith.constant 0 : i32
      %dma_wait3A_22 = tpu.memref_slice %arg10[%mul3A_12, %dma_wait3A_21] : memref<10240x128xf32, #tpu.memory_space<vmem_shared>> -> memref<640x128xf32, #tpu.memory_space<vmem_shared>>
      tpu.wait_dma2 semaphore(%run_scoped3A : memref<!tpu.dma_semaphore, #tpu.memory_space<semaphore_mem>>) src(%dma_wait3A_22 : memref<640x128xf32, #tpu.memory_space<vmem_shared>>) dst(%dma_wait3A_20 : memref<640x128xf32, #tpu.memory_space<hbm>>)
      tpu.yield
    }) : () -> ()
    return
  }
}

#map = affine_map<(d0, d1) -> (0, 0)>
#map1 = affine_map<(d0, d1) -> (0, 0, 0)>
module attributes {stable_mosaic.version = 14 : i64} {
  func.func @body(%arg0: i32, %arg1: i32, %arg2: memref<10000x128xf32, #tpu.memory_space<hbm>>, %arg3: memref<32x125x80xi32, #tpu.memory_space<hbm>>, %arg4: memref<32x125x80xi32, #tpu.memory_space<hbm>>, %arg5: memref<10240x128xf32, #tpu.memory_space<hbm>>, %arg6: memref<2x10240x128xf32, #tpu.memory_space<hbm>>, %arg7: memref<125x80xi32, #tpu.memory_space<vmem>>, %arg8: memref<125x80xi32, #tpu.memory_space<vmem>>, %arg9: memref<80x128xf32, #tpu.memory_space<vmem>>, %arg10: memref<10240x128xf32, #tpu.memory_space<vmem_shared>>, %arg11: memref<!tpu.dma_semaphore, #tpu.memory_space<semaphore_mem>>) attributes {dimension_semantics = [#tpu.dimension_semantics<core_parallel>, #tpu.dimension_semantics<subcore_parallel>], iteration_bounds = array<i64: 2, 16>, scalar_prefetch = 0 : i64, scratch_operands = 5 : i64, tpu.core_type = #tpu.core_type<sc_vector_subcore>, window_params = [{transform_indices = #map}, {transform_indices = #map1}, {transform_indices = #map1}, {transform_indices = #map}, {transform_indices = #map1}]} {
    %mul3A = arith.constant 16 : i32
    %mul3A_0 = arith.muli %arg0, %mul3A : i32
    %add3A = arith.addi %mul3A_0, %arg1 : i32
    %mul3A_1 = arith.constant 640 : i32
    %mul3A_2 = arith.muli %arg1, %mul3A_1 : i32
    %mul3A_3 = arith.constant 640 : i32
    %mul3A_4 = arith.muli %arg1, %mul3A_3 : i32
    "tpu.region"() ({
      %run_scoped3A = tpu.sem_alloc : memref<!tpu.dma_semaphore, #tpu.memory_space<semaphore_mem>>
      %dma_start3A = arith.constant 0 : i32
      %dma_start3A_15 = tpu.memref_slice %arg10[%mul3A_4, %dma_start3A] : memref<10240x128xf32, #tpu.memory_space<vmem_shared>> -> memref<640x128xf32, #tpu.memory_space<vmem_shared>>
      %dma_start3A_16 = arith.constant 0 : i32
      %dma_start3A_17 = tpu.memref_slice %arg5[%mul3A_2, %dma_start3A_16] : memref<10240x128xf32, #tpu.memory_space<hbm>> -> memref<640x128xf32, #tpu.memory_space<hbm>>
      tpu.enqueue_dma source(%dma_start3A_17 : memref<640x128xf32, #tpu.memory_space<hbm>>) target(%dma_start3A_15 : memref<640x128xf32, #tpu.memory_space<vmem_shared>>) target_semaphore(%run_scoped3A : memref<!tpu.dma_semaphore, #tpu.memory_space<semaphore_mem>>)
      %dma_wait3A = arith.constant 0 : i32
      %dma_wait3A_18 = tpu.memref_slice %arg10[%mul3A_4, %dma_wait3A] : memref<10240x128xf32, #tpu.memory_space<vmem_shared>> -> memref<640x128xf32, #tpu.memory_space<vmem_shared>>
      %dma_wait3A_19 = arith.constant 0 : i32
      %dma_wait3A_20 = tpu.memref_slice %arg5[%mul3A_2, %dma_wait3A_19] : memref<10240x128xf32, #tpu.memory_space<hbm>> -> memref<640x128xf32, #tpu.memory_space<hbm>>
      tpu.wait_dma2 semaphore(%run_scoped3A : memref<!tpu.dma_semaphore, #tpu.memory_space<semaphore_mem>>) src(%dma_wait3A_20 : memref<640x128xf32, #tpu.memory_space<hbm>>) dst(%dma_wait3A_18 : memref<640x128xf32, #tpu.memory_space<vmem_shared>>)
      tpu.yield
    }) : () -> ()
    "tpu.region"() ({
      %run_scoped3A = tpu.sem_alloc : memref<!tpu.dma_semaphore, #tpu.memory_space<semaphore_mem>>
      %dma_start3A = arith.constant 0 : i32
      %dma_start3A_15 = arith.constant 0 : i32
      %dma_start3A_16 = tpu.memref_slice %arg3[%add3A, %dma_start3A, %dma_start3A_15] : memref<32x125x80xi32, #tpu.memory_space<hbm>> -> memref<1x125x80xi32, #tpu.memory_space<hbm>>
      %dma_start3A_17 = tpu.memref_squeeze %dma_start3A_16 : memref<1x125x80xi32, #tpu.memory_space<hbm>> -> memref<125x80xi32, #tpu.memory_space<hbm>>
      %dma_start3A_18 = arith.constant 0 : i32
      %dma_start3A_19 = arith.constant 0 : i32
      %dma_start3A_20 = tpu.memref_slice %arg3[%add3A, %dma_start3A_18, %dma_start3A_19] : memref<32x125x80xi32, #tpu.memory_space<hbm>> -> memref<1x125x80xi32, #tpu.memory_space<hbm>>
      %dma_start3A_21 = tpu.memref_squeeze %dma_start3A_20 : memref<1x125x80xi32, #tpu.memory_space<hbm>> -> memref<125x80xi32, #tpu.memory_space<hbm>>
      tpu.enqueue_dma source(%dma_start3A_21 : memref<125x80xi32, #tpu.memory_space<hbm>>) target(%arg7 : memref<125x80xi32, #tpu.memory_space<vmem>>) target_semaphore(%run_scoped3A : memref<!tpu.dma_semaphore, #tpu.memory_space<semaphore_mem>>)
      %dma_wait3A = arith.constant 0 : i32
      %dma_wait3A_22 = arith.constant 0 : i32
      %dma_wait3A_23 = tpu.memref_slice %arg3[%add3A, %dma_wait3A, %dma_wait3A_22] : memref<32x125x80xi32, #tpu.memory_space<hbm>> -> memref<1x125x80xi32, #tpu.memory_space<hbm>>
      %dma_wait3A_24 = tpu.memref_squeeze %dma_wait3A_23 : memref<1x125x80xi32, #tpu.memory_space<hbm>> -> memref<125x80xi32, #tpu.memory_space<hbm>>
      %dma_wait3A_25 = arith.constant 0 : i32
      %dma_wait3A_26 = arith.constant 0 : i32
      %dma_wait3A_27 = tpu.memref_slice %arg3[%add3A, %dma_wait3A_25, %dma_wait3A_26] : memref<32x125x80xi32, #tpu.memory_space<hbm>> -> memref<1x125x80xi32, #tpu.memory_space<hbm>>
      %dma_wait3A_28 = tpu.memref_squeeze %dma_wait3A_27 : memref<1x125x80xi32, #tpu.memory_space<hbm>> -> memref<125x80xi32, #tpu.memory_space<hbm>>
      tpu.wait_dma2 semaphore(%run_scoped3A : memref<!tpu.dma_semaphore, #tpu.memory_space<semaphore_mem>>) src(%dma_wait3A_28 : memref<125x80xi32, #tpu.memory_space<hbm>>) dst(%arg7 : memref<125x80xi32, #tpu.memory_space<vmem>>)
      tpu.yield
    }) : () -> ()
    "tpu.region"() ({
      %run_scoped3A = tpu.sem_alloc : memref<!tpu.dma_semaphore, #tpu.memory_space<semaphore_mem>>
      %dma_start3A = arith.constant 0 : i32
      %dma_start3A_15 = arith.constant 0 : i32
      %dma_start3A_16 = tpu.memref_slice %arg4[%add3A, %dma_start3A, %dma_start3A_15] : memref<32x125x80xi32, #tpu.memory_space<hbm>> -> memref<1x125x80xi32, #tpu.memory_space<hbm>>
      %dma_start3A_17 = tpu.memref_squeeze %dma_start3A_16 : memref<1x125x80xi32, #tpu.memory_space<hbm>> -> memref<125x80xi32, #tpu.memory_space<hbm>>
      %dma_start3A_18 = arith.constant 0 : i32
      %dma_start3A_19 = arith.constant 0 : i32
      %dma_start3A_20 = tpu.memref_slice %arg4[%add3A, %dma_start3A_18, %dma_start3A_19] : memref<32x125x80xi32, #tpu.memory_space<hbm>> -> memref<1x125x80xi32, #tpu.memory_space<hbm>>
      %dma_start3A_21 = tpu.memref_squeeze %dma_start3A_20 : memref<1x125x80xi32, #tpu.memory_space<hbm>> -> memref<125x80xi32, #tpu.memory_space<hbm>>
      tpu.enqueue_dma source(%dma_start3A_21 : memref<125x80xi32, #tpu.memory_space<hbm>>) target(%arg8 : memref<125x80xi32, #tpu.memory_space<vmem>>) target_semaphore(%run_scoped3A : memref<!tpu.dma_semaphore, #tpu.memory_space<semaphore_mem>>)
      %dma_wait3A = arith.constant 0 : i32
      %dma_wait3A_22 = arith.constant 0 : i32
      %dma_wait3A_23 = tpu.memref_slice %arg4[%add3A, %dma_wait3A, %dma_wait3A_22] : memref<32x125x80xi32, #tpu.memory_space<hbm>> -> memref<1x125x80xi32, #tpu.memory_space<hbm>>
      %dma_wait3A_24 = tpu.memref_squeeze %dma_wait3A_23 : memref<1x125x80xi32, #tpu.memory_space<hbm>> -> memref<125x80xi32, #tpu.memory_space<hbm>>
      %dma_wait3A_25 = arith.constant 0 : i32
      %dma_wait3A_26 = arith.constant 0 : i32
      %dma_wait3A_27 = tpu.memref_slice %arg4[%add3A, %dma_wait3A_25, %dma_wait3A_26] : memref<32x125x80xi32, #tpu.memory_space<hbm>> -> memref<1x125x80xi32, #tpu.memory_space<hbm>>
      %dma_wait3A_28 = tpu.memref_squeeze %dma_wait3A_27 : memref<1x125x80xi32, #tpu.memory_space<hbm>> -> memref<125x80xi32, #tpu.memory_space<hbm>>
      tpu.wait_dma2 semaphore(%run_scoped3A : memref<!tpu.dma_semaphore, #tpu.memory_space<semaphore_mem>>) src(%dma_wait3A_28 : memref<125x80xi32, #tpu.memory_space<hbm>>) dst(%arg8 : memref<125x80xi32, #tpu.memory_space<vmem>>)
      tpu.yield
    }) : () -> ()
    %barrier3A = arith.constant 0 : index
    tpu.barrier barrier_id(%barrier3A)
    %scan3A = arith.constant 0 : i32
    %scan3A_5 = arith.constant 0 : i32
    %scan3A_6 = arith.constant 125 : i32
    %scan3A_7 = arith.addi %scan3A_5, %scan3A_6 : i32
    %scan3A_8 = arith.constant 1 : i32
    scf.for %scan3A_15 = %scan3A_5 to %scan3A_7 step %scan3A_8  : i32 {
      %dma_start3A = arith.constant 0 : i32
      %dma_start3A_16 = tpu.memref_slice %arg7[%scan3A_15, %dma_start3A] : memref<125x80xi32, #tpu.memory_space<vmem>> -> memref<1x80xi32, #tpu.memory_space<vmem>>
      %dma_start3A_17 = tpu.memref_squeeze %dma_start3A_16 : memref<1x80xi32, #tpu.memory_space<vmem>> -> memref<80xi32, #tpu.memory_space<vmem>>
      %dma_start3A_18 = arith.constant 0 : i32
      %dma_start3A_19 = arith.constant 0 : i32
      %dma_start3A_20 = tpu.memref_slice %arg2[%dma_start3A_18, %dma_start3A_19] : memref<10000x128xf32, #tpu.memory_space<hbm>> -> memref<10000x128xf32, #tpu.memory_space<hbm>>
      tpu.enqueue_indirect_dma source(%dma_start3A_20 : memref<10000x128xf32, #tpu.memory_space<hbm>>) target(%arg9 : memref<80x128xf32, #tpu.memory_space<vmem>>) offsets(%dma_start3A_17 : memref<80xi32, #tpu.memory_space<vmem>>) semaphore(%arg11 : memref<!tpu.dma_semaphore, #tpu.memory_space<semaphore_mem>>)
      %dma_wait3A = arith.constant 0 : i32
      %dma_wait3A_21 = tpu.memref_slice %arg7[%scan3A_15, %dma_wait3A] : memref<125x80xi32, #tpu.memory_space<vmem>> -> memref<1x80xi32, #tpu.memory_space<vmem>>
      %dma_wait3A_22 = tpu.memref_squeeze %dma_wait3A_21 : memref<1x80xi32, #tpu.memory_space<vmem>> -> memref<80xi32, #tpu.memory_space<vmem>>
      %dma_wait3A_23 = arith.constant 0 : i32
      %dma_wait3A_24 = arith.constant 0 : i32
      %dma_wait3A_25 = tpu.memref_slice %arg2[%dma_wait3A_23, %dma_wait3A_24] : memref<10000x128xf32, #tpu.memory_space<hbm>> -> memref<10000x128xf32, #tpu.memory_space<hbm>>
      tpu.wait_indirect_dma semaphore(%arg11 : memref<!tpu.dma_semaphore, #tpu.memory_space<semaphore_mem>>) src(%dma_wait3A_25 : memref<10000x128xf32, #tpu.memory_space<hbm>>) dst(%arg9 : memref<80x128xf32, #tpu.memory_space<vmem>>)
      "tpu.region"() ({
        %run_scoped3A = tpu.sem_alloc : memref<!tpu.dma_semaphore, #tpu.memory_space<semaphore_mem>>
        %dma_start3A_26 = arith.constant 0 : i32
        %dma_start3A_27 = tpu.memref_slice %arg8[%scan3A_15, %dma_start3A_26] : memref<125x80xi32, #tpu.memory_space<vmem>> -> memref<1x80xi32, #tpu.memory_space<vmem>>
        %dma_start3A_28 = tpu.memref_squeeze %dma_start3A_27 : memref<1x80xi32, #tpu.memory_space<vmem>> -> memref<80xi32, #tpu.memory_space<vmem>>
        %dma_start3A_29 = arith.constant 0 : i32
        %dma_start3A_30 = arith.constant 0 : i32
        %dma_start3A_31 = tpu.memref_slice %arg10[%dma_start3A_29, %dma_start3A_30] : memref<10240x128xf32, #tpu.memory_space<vmem_shared>> -> memref<10240x128xf32, #tpu.memory_space<vmem_shared>>
        tpu.enqueue_indirect_dma source(%arg9 : memref<80x128xf32, #tpu.memory_space<vmem>>) target(%dma_start3A_31 : memref<10240x128xf32, #tpu.memory_space<vmem_shared>>) offsets(%dma_start3A_28 : memref<80xi32, #tpu.memory_space<vmem>>) semaphore(%run_scoped3A : memref<!tpu.dma_semaphore, #tpu.memory_space<semaphore_mem>>) {add = true}
        %dma_wait3A_32 = arith.constant 0 : i32
        %dma_wait3A_33 = tpu.memref_slice %arg8[%scan3A_15, %dma_wait3A_32] : memref<125x80xi32, #tpu.memory_space<vmem>> -> memref<1x80xi32, #tpu.memory_space<vmem>>
        %dma_wait3A_34 = tpu.memref_squeeze %dma_wait3A_33 : memref<1x80xi32, #tpu.memory_space<vmem>> -> memref<80xi32, #tpu.memory_space<vmem>>
        %dma_wait3A_35 = arith.constant 0 : i32
        %dma_wait3A_36 = arith.constant 0 : i32
        %dma_wait3A_37 = tpu.memref_slice %arg10[%dma_wait3A_35, %dma_wait3A_36] : memref<10240x128xf32, #tpu.memory_space<vmem_shared>> -> memref<10240x128xf32, #tpu.memory_space<vmem_shared>>
        tpu.wait_indirect_dma semaphore(%run_scoped3A : memref<!tpu.dma_semaphore, #tpu.memory_space<semaphore_mem>>) src(%arg9 : memref<80x128xf32, #tpu.memory_space<vmem>>) dst(%dma_wait3A_37 : memref<10240x128xf32, #tpu.memory_space<vmem_shared>>)
        tpu.yield
      }) : () -> ()
    }
    %scan3A_9 = arith.constant 125 : i32
    %barrier3A_10 = arith.constant 0 : index
    tpu.barrier barrier_id(%barrier3A_10)
    %mul3A_11 = arith.constant 640 : i32
    %mul3A_12 = arith.muli %arg1, %mul3A_11 : i32
    %mul3A_13 = arith.constant 640 : i32
    %mul3A_14 = arith.muli %arg1, %mul3A_13 : i32
    "tpu.region"() ({
      %run_scoped3A = tpu.sem_alloc : memref<!tpu.dma_semaphore, #tpu.memory_space<semaphore_mem>>
      %dma_start3A = arith.constant 0 : i32
      %dma_start3A_15 = tpu.memref_slice %arg6[%arg0, %mul3A_14, %dma_start3A] : memref<2x10240x128xf32, #tpu.memory_space<hbm>> -> memref<1x640x128xf32, #tpu.memory_space<hbm>>
      %dma_start3A_16 = tpu.memref_squeeze %dma_start3A_15 : memref<1x640x128xf32, #tpu.memory_space<hbm>> -> memref<640x128xf32, #tpu.memory_space<hbm>>
      %dma_start3A_17 = arith.constant 0 : i32
      %dma_start3A_18 = tpu.memref_slice %arg10[%mul3A_12, %dma_start3A_17] : memref<10240x128xf32, #tpu.memory_space<vmem_shared>> -> memref<640x128xf32, #tpu.memory_space<vmem_shared>>
      tpu.enqueue_dma source(%dma_start3A_18 : memref<640x128xf32, #tpu.memory_space<vmem_shared>>) target(%dma_start3A_16 : memref<640x128xf32, #tpu.memory_space<hbm>>) target_semaphore(%run_scoped3A : memref<!tpu.dma_semaphore, #tpu.memory_space<semaphore_mem>>)
      %dma_wait3A = arith.constant 0 : i32
      %dma_wait3A_19 = tpu.memref_slice %arg6[%arg0, %mul3A_14, %dma_wait3A] : memref<2x10240x128xf32, #tpu.memory_space<hbm>> -> memref<1x640x128xf32, #tpu.memory_space<hbm>>
      %dma_wait3A_20 = tpu.memref_squeeze %dma_wait3A_19 : memref<1x640x128xf32, #tpu.memory_space<hbm>> -> memref<640x128xf32, #tpu.memory_space<hbm>>
      %dma_wait3A_21 = arith.constant 0 : i32
      %dma_wait3A_22 = tpu.memref_slice %arg10[%mul3A_12, %dma_wait3A_21] : memref<10240x128xf32, #tpu.memory_space<vmem_shared>> -> memref<640x128xf32, #tpu.memory_space<vmem_shared>>
      tpu.wait_dma2 semaphore(%run_scoped3A : memref<!tpu.dma_semaphore, #tpu.memory_space<semaphore_mem>>) src(%dma_wait3A_22 : memref<640x128xf32, #tpu.memory_space<vmem_shared>>) dst(%dma_wait3A_20 : memref<640x128xf32, #tpu.memory_space<hbm>>)
      tpu.yield
    }) : () -> ()
    return
  }
}

module attributes {stable_mosaic.version = 14 : i64} {
  func.func @body(%arg0: i32, %arg1: memref<2000x128xf32, #tpu.memory_space<vmem>>, %arg2: memref<128x128xf32, #tpu.memory_space<vmem>>, %arg3: memref<1x128xf32, #tpu.memory_space<vmem>>, %arg4: memref<2000x128xf32, #tpu.memory_space<vmem>>) attributes {dimension_semantics = [#tpu.dimension_semantics<arbitrary>], iteration_bounds = array<i64: 5>, scalar_prefetch = 0 : i64, scratch_operands = 0 : i64, tpu.core_type = #tpu.core_type<tc>, window_params = [{transform_indices = @transform_0, window_bounds = array<i64: 2000, 128>}, {pipeline_mode = #tpu.pipeline_mode<synchronous>, transform_indices = @transform_1, window_bounds = array<i64: 128, 128>}, {pipeline_mode = #tpu.pipeline_mode<synchronous>, transform_indices = @transform_2, window_bounds = array<i64: 1, 128>}, {transform_indices = @transform_3, window_bounds = array<i64: 2000, 128>}]} {
    %get3A = arith.constant 0 : index
    %get3A_0 = arith.constant 0 : index
    %get3A_1 = vector.load %arg1[%get3A, %get3A_0] : memref<2000x128xf32, #tpu.memory_space<vmem>>, vector<2000x128xf32>
    %get3A_2 = arith.constant 0 : index
    %get3A_3 = arith.constant 0 : index
    %get3A_4 = vector.load %arg2[%get3A_2, %get3A_3] : memref<128x128xf32, #tpu.memory_space<vmem>>, vector<128x128xf32>
    %dot_general3A = arith.constant dense<0.000000e+00> : vector<2000x128xf32>
    %dot_general3A_5 = tpu.matmul %get3A_1, %get3A_4, %dot_general3A {dimension_numbers = #tpu.dot_dimension_numbers<[1], [0], [0], [1], [0, 0, 1, 1], [], []>, transpose_lhs_hint = false} : vector<2000x128xf32>, vector<128x128xf32>, vector<2000x128xf32> -> vector<2000x128xf32>
    %get3A_6 = arith.constant 0 : index
    %get3A_7 = arith.constant 0 : index
    %get3A_8 = vector.load %arg3[%get3A_6, %get3A_7] : memref<1x128xf32, #tpu.memory_space<vmem>>, vector<1x128xf32>
    %add3A = vector.broadcast %get3A_8 : vector<1x128xf32> to vector<2000x128xf32>
    %add3A_9 = arith.addf %dot_general3A_5, %add3A : vector<2000x128xf32>
    %swap3A = arith.constant 0 : index
    %swap3A_10 = arith.constant 0 : index
    %swap3A_11 = vector.load %arg4[%swap3A, %swap3A_10] : memref<2000x128xf32, #tpu.memory_space<vmem>>, vector<2000x128xf32>
    tpu.vector_store %arg4[%swap3A, %swap3A_10], %add3A_9 {strides = array<i32>} : memref<2000x128xf32, #tpu.memory_space<vmem>>, vector<2000x128xf32>,
    return
  }
  func.func @transform_0(%arg0: i32) -> (i32, i32) {
    %c0_i32 = arith.constant 0 : i32
    %c0_i32_0 = arith.constant 0 : i32
    return %arg0, %c0_i32 : i32, i32
  }
  func.func @transform_1(%arg0: i32) -> (i32, i32) {
    %c0_i32 = arith.constant 0 : i32
    %c0_i32_0 = arith.constant 0 : i32
    %c0_i32_1 = arith.constant 0 : i32
    return %c0_i32, %c0_i32_0 : i32, i32
  }
  func.func @transform_2(%arg0: i32) -> (i32, i32) {
    %c0_i32 = arith.constant 0 : i32
    %c0_i32_0 = arith.constant 0 : i32
    %c0_i32_1 = arith.constant 0 : i32
    return %c0_i32, %c0_i32_0 : i32, i32
  }
  func.func @transform_3(%arg0: i32) -> (i32, i32) {
    %c0_i32 = arith.constant 0 : i32
    %c0_i32_0 = arith.constant 0 : i32
    return %arg0, %c0_i32 : i32, i32
  }
}

module attributes {stable_mosaic.version = 14 : i64} {
  func.func @body(%arg0: i32, %arg1: memref<2x2000x128xf32, #tpu.memory_space<vmem>>, %arg2: memref<2000x128xf32, #tpu.memory_space<vmem>>, %arg3: memref<2x128x384xf32, #tpu.memory_space<vmem>>, %arg4: memref<2x128x384xf32, #tpu.memory_space<vmem>>, %arg5: memref<2x384xf32, #tpu.memory_space<vmem>>, %arg6: memref<2x384xf32, #tpu.memory_space<vmem>>, %arg7: memref<2000x128xf32, #tpu.memory_space<vmem>>) attributes {dimension_semantics = [#tpu.dimension_semantics<arbitrary>], iteration_bounds = array<i64: 5>, scalar_prefetch = 0 : i64, scratch_operands = 0 : i64, tpu.core_type = #tpu.core_type<tc>, window_params = [{transform_indices = @transform_0, window_bounds = array<i64: 2, 2000, 128>}, {transform_indices = @transform_1, window_bounds = array<i64: 2000, 128>}, {pipeline_mode = #tpu.pipeline_mode<synchronous>, transform_indices = @transform_2, window_bounds = array<i64: 2, 128, 384>}, {pipeline_mode = #tpu.pipeline_mode<synchronous>, transform_indices = @transform_3, window_bounds = array<i64: 2, 128, 384>}, {pipeline_mode = #tpu.pipeline_mode<synchronous>, transform_indices = @transform_4, window_bounds = array<i64: 2, 384>}, {pipeline_mode = #tpu.pipeline_mode<synchronous>, transform_indices = @transform_5, window_bounds = array<i64: 2, 384>}, {transform_indices = @transform_6, window_bounds = array<i64: 2000, 128>}]} {
    %get3A = arith.constant 0 : index
    %get3A_0 = arith.constant 0 : index
    %get3A_1 = arith.constant 0 : index
    %get3A_2 = vector.load %arg1[%get3A, %get3A_0, %get3A_1] : memref<2x2000x128xf32, #tpu.memory_space<vmem>>, vector<1x2000x128xf32>
    %get3A_3 = vector.shape_cast %get3A_2 : vector<1x2000x128xf32> to vector<2000x128xf32>
    %get3A_4 = arith.constant 1 : index
    %get3A_5 = arith.constant 0 : index
    %get3A_6 = arith.constant 0 : index
    %get3A_7 = vector.load %arg1[%get3A_4, %get3A_5, %get3A_6] : memref<2x2000x128xf32, #tpu.memory_space<vmem>>, vector<1x2000x128xf32>
    %get3A_8 = vector.shape_cast %get3A_7 : vector<1x2000x128xf32> to vector<2000x128xf32>
    %add3A = arith.addf %get3A_3, %get3A_8 : vector<2000x128xf32>
    %get3A_9 = arith.constant 0 : index
    %get3A_10 = arith.constant 0 : index
    %get3A_11 = vector.load %arg2[%get3A_9, %get3A_10] : memref<2000x128xf32, #tpu.memory_space<vmem>>, vector<2000x128xf32>
    %get3A_12 = arith.constant 0 : index
    %get3A_13 = arith.constant 0 : index
    %get3A_14 = arith.constant 0 : index
    %get3A_15 = vector.load %arg3[%get3A_12, %get3A_13, %get3A_14] : memref<2x128x384xf32, #tpu.memory_space<vmem>>, vector<1x128x384xf32>
    %get3A_16 = vector.shape_cast %get3A_15 : vector<1x128x384xf32> to vector<128x384xf32>
    %dot_general3A = arith.constant dense<0.000000e+00> : vector<2000x384xf32>
    %dot_general3A_17 = tpu.matmul %add3A, %get3A_16, %dot_general3A {dimension_numbers = #tpu.dot_dimension_numbers<[1], [0], [0], [1], [0, 0, 1, 1], [], []>, transpose_lhs_hint = false} : vector<2000x128xf32>, vector<128x384xf32>, vector<2000x384xf32> -> vector<2000x384xf32>
    %get3A_18 = arith.constant 0 : index
    %get3A_19 = arith.constant 0 : index
    %get3A_20 = vector.load %arg5[%get3A_18, %get3A_19] : memref<2x384xf32, #tpu.memory_space<vmem>>, vector<1x384xf32>
    %get3A_21 = vector.shape_cast %get3A_20 : vector<1x384xf32> to vector<384xf32>
    %broadcast_in_dim3A = vector.shape_cast %get3A_21 : vector<384xf32> to vector<1x384xf32>
    %add3A_22 = vector.broadcast %broadcast_in_dim3A : vector<1x384xf32> to vector<2000x384xf32>
    %add3A_23 = arith.addf %dot_general3A_17, %add3A_22 : vector<2000x384xf32>
    %get3A_24 = arith.constant 0 : index
    %get3A_25 = arith.constant 0 : index
    %get3A_26 = arith.constant 0 : index
    %get3A_27 = vector.load %arg4[%get3A_24, %get3A_25, %get3A_26] : memref<2x128x384xf32, #tpu.memory_space<vmem>>, vector<1x128x384xf32>
    %get3A_28 = vector.shape_cast %get3A_27 : vector<1x128x384xf32> to vector<128x384xf32>
    %dot_general3A_29 = arith.constant dense<0.000000e+00> : vector<2000x384xf32>
    %dot_general3A_30 = tpu.matmul %get3A_11, %get3A_28, %dot_general3A_29 {dimension_numbers = #tpu.dot_dimension_numbers<[1], [0], [0], [1], [0, 0, 1, 1], [], []>, transpose_lhs_hint = false} : vector<2000x128xf32>, vector<128x384xf32>, vector<2000x384xf32> -> vector<2000x384xf32>
    %get3A_31 = arith.constant 0 : index
    %get3A_32 = arith.constant 0 : index
    %get3A_33 = vector.load %arg6[%get3A_31, %get3A_32] : memref<2x384xf32, #tpu.memory_space<vmem>>, vector<1x384xf32>
    %get3A_34 = vector.shape_cast %get3A_33 : vector<1x384xf32> to vector<384xf32>
    %broadcast_in_dim3A_35 = vector.shape_cast %get3A_34 : vector<384xf32> to vector<1x384xf32>
    %add3A_36 = vector.broadcast %broadcast_in_dim3A_35 : vector<1x384xf32> to vector<2000x384xf32>
    %add3A_37 = arith.addf %dot_general3A_30, %add3A_36 : vector<2000x384xf32>
    %slice3A = vector.extract_strided_slice %add3A_23 {offsets = [0, 0], sizes = [2000, 128], strides = [1, 1]} : vector<2000x384xf32> to vector<2000x128xf32>
    %slice3A_38 = vector.extract_strided_slice %add3A_37 {offsets = [0, 0], sizes = [2000, 128], strides = [1, 1]} : vector<2000x384xf32> to vector<2000x128xf32>
    %add3A_39 = arith.addf %slice3A, %slice3A_38 : vector<2000x128xf32>
    %logistic3A = arith.negf %add3A_39 : vector<2000x128xf32>
    %logistic3A_40 = math.exp %logistic3A : vector<2000x128xf32>
    %logistic3A_41 = arith.constant 1.000000e+00 : f32
    %logistic3A_42 = vector.broadcast %logistic3A_41 : f32 to vector<2000x128xf32>
    %logistic3A_43 = arith.addf %logistic3A_42, %logistic3A_40 : vector<2000x128xf32>
    %logistic3A_44 = arith.divf %logistic3A_42, %logistic3A_43 : vector<2000x128xf32>
    %slice3A_45 = vector.extract_strided_slice %add3A_23 {offsets = [0, 128], sizes = [2000, 128], strides = [1, 1]} : vector<2000x384xf32> to vector<2000x128xf32>
    %slice3A_46 = vector.extract_strided_slice %add3A_37 {offsets = [0, 128], sizes = [2000, 128], strides = [1, 1]} : vector<2000x384xf32> to vector<2000x128xf32>
    %add3A_47 = arith.addf %slice3A_45, %slice3A_46 : vector<2000x128xf32>
    %logistic3A_48 = arith.negf %add3A_47 : vector<2000x128xf32>
    %logistic3A_49 = math.exp %logistic3A_48 : vector<2000x128xf32>
    %logistic3A_50 = arith.constant 1.000000e+00 : f32
    %logistic3A_51 = vector.broadcast %logistic3A_50 : f32 to vector<2000x128xf32>
    %logistic3A_52 = arith.addf %logistic3A_51, %logistic3A_49 : vector<2000x128xf32>
    %logistic3A_53 = arith.divf %logistic3A_51, %logistic3A_52 : vector<2000x128xf32>
    %slice3A_54 = vector.extract_strided_slice %add3A_23 {offsets = [0, 256], sizes = [2000, 128], strides = [1, 1]} : vector<2000x384xf32> to vector<2000x128xf32>
    %slice3A_55 = vector.extract_strided_slice %add3A_37 {offsets = [0, 256], sizes = [2000, 128], strides = [1, 1]} : vector<2000x384xf32> to vector<2000x128xf32>
    %mul3A = arith.mulf %logistic3A_44, %slice3A_55 : vector<2000x128xf32>
    %add3A_56 = arith.addf %slice3A_54, %mul3A : vector<2000x128xf32>
    %tanh3A = math.tanh %add3A_56 : vector<2000x128xf32>
    %sub3A = arith.constant 1.000000e+00 : f32
    %sub3A_57 = vector.broadcast %sub3A : f32 to vector<2000x128xf32>
    %sub3A_58 = arith.subf %sub3A_57, %logistic3A_53 : vector<2000x128xf32>
    %mul3A_59 = arith.mulf %sub3A_58, %tanh3A : vector<2000x128xf32>
    %mul3A_60 = arith.mulf %logistic3A_53, %get3A_11 : vector<2000x128xf32>
    %add3A_61 = arith.addf %mul3A_59, %mul3A_60 : vector<2000x128xf32>
    %get3A_62 = arith.constant 1 : index
    %get3A_63 = arith.constant 0 : index
    %get3A_64 = arith.constant 0 : index
    %get3A_65 = vector.load %arg3[%get3A_62, %get3A_63, %get3A_64] : memref<2x128x384xf32, #tpu.memory_space<vmem>>, vector<1x128x384xf32>
    %get3A_66 = vector.shape_cast %get3A_65 : vector<1x128x384xf32> to vector<128x384xf32>
    %dot_general3A_67 = arith.constant dense<0.000000e+00> : vector<2000x384xf32>
    %dot_general3A_68 = tpu.matmul %add3A_61, %get3A_66, %dot_general3A_67 {dimension_numbers = #tpu.dot_dimension_numbers<[1], [0], [0], [1], [0, 0, 1, 1], [], []>, transpose_lhs_hint = false} : vector<2000x128xf32>, vector<128x384xf32>, vector<2000x384xf32> -> vector<2000x384xf32>
    %get3A_69 = arith.constant 1 : index
    %get3A_70 = arith.constant 0 : index
    %get3A_71 = vector.load %arg5[%get3A_69, %get3A_70] : memref<2x384xf32, #tpu.memory_space<vmem>>, vector<1x384xf32>
    %get3A_72 = vector.shape_cast %get3A_71 : vector<1x384xf32> to vector<384xf32>
    %broadcast_in_dim3A_73 = vector.shape_cast %get3A_72 : vector<384xf32> to vector<1x384xf32>
    %add3A_74 = vector.broadcast %broadcast_in_dim3A_73 : vector<1x384xf32> to vector<2000x384xf32>
    %add3A_75 = arith.addf %dot_general3A_68, %add3A_74 : vector<2000x384xf32>
    %get3A_76 = arith.constant 1 : index
    %get3A_77 = arith.constant 0 : index
    %get3A_78 = arith.constant 0 : index
    %get3A_79 = vector.load %arg4[%get3A_76, %get3A_77, %get3A_78] : memref<2x128x384xf32, #tpu.memory_space<vmem>>, vector<1x128x384xf32>
    %get3A_80 = vector.shape_cast %get3A_79 : vector<1x128x384xf32> to vector<128x384xf32>
    %dot_general3A_81 = arith.constant dense<0.000000e+00> : vector<2000x384xf32>
    %dot_general3A_82 = tpu.matmul %add3A_61, %get3A_80, %dot_general3A_81 {dimension_numbers = #tpu.dot_dimension_numbers<[1], [0], [0], [1], [0, 0, 1, 1], [], []>, transpose_lhs_hint = false} : vector<2000x128xf32>, vector<128x384xf32>, vector<2000x384xf32> -> vector<2000x384xf32>
    %get3A_83 = arith.constant 1 : index
    %get3A_84 = arith.constant 0 : index
    %get3A_85 = vector.load %arg6[%get3A_83, %get3A_84] : memref<2x384xf32, #tpu.memory_space<vmem>>, vector<1x384xf32>
    %get3A_86 = vector.shape_cast %get3A_85 : vector<1x384xf32> to vector<384xf32>
    %broadcast_in_dim3A_87 = vector.shape_cast %get3A_86 : vector<384xf32> to vector<1x384xf32>
    %add3A_88 = vector.broadcast %broadcast_in_dim3A_87 : vector<1x384xf32> to vector<2000x384xf32>
    %add3A_89 = arith.addf %dot_general3A_82, %add3A_88 : vector<2000x384xf32>
    %slice3A_90 = vector.extract_strided_slice %add3A_75 {offsets = [0, 0], sizes = [2000, 128], strides = [1, 1]} : vector<2000x384xf32> to vector<2000x128xf32>
    %slice3A_91 = vector.extract_strided_slice %add3A_89 {offsets = [0, 0], sizes = [2000, 128], strides = [1, 1]} : vector<2000x384xf32> to vector<2000x128xf32>
    %add3A_92 = arith.addf %slice3A_90, %slice3A_91 : vector<2000x128xf32>
    %logistic3A_93 = arith.negf %add3A_92 : vector<2000x128xf32>
    %logistic3A_94 = math.exp %logistic3A_93 : vector<2000x128xf32>
    %logistic3A_95 = arith.constant 1.000000e+00 : f32
    %logistic3A_96 = vector.broadcast %logistic3A_95 : f32 to vector<2000x128xf32>
    %logistic3A_97 = arith.addf %logistic3A_96, %logistic3A_94 : vector<2000x128xf32>
    %logistic3A_98 = arith.divf %logistic3A_96, %logistic3A_97 : vector<2000x128xf32>
    %slice3A_99 = vector.extract_strided_slice %add3A_75 {offsets = [0, 128], sizes = [2000, 128], strides = [1, 1]} : vector<2000x384xf32> to vector<2000x128xf32>
    %slice3A_100 = vector.extract_strided_slice %add3A_89 {offsets = [0, 128], sizes = [2000, 128], strides = [1, 1]} : vector<2000x384xf32> to vector<2000x128xf32>
    %add3A_101 = arith.addf %slice3A_99, %slice3A_100 : vector<2000x128xf32>
    %logistic3A_102 = arith.negf %add3A_101 : vector<2000x128xf32>
    %logistic3A_103 = math.exp %logistic3A_102 : vector<2000x128xf32>
    %logistic3A_104 = arith.constant 1.000000e+00 : f32
    %logistic3A_105 = vector.broadcast %logistic3A_104 : f32 to vector<2000x128xf32>
    %logistic3A_106 = arith.addf %logistic3A_105, %logistic3A_103 : vector<2000x128xf32>
    %logistic3A_107 = arith.divf %logistic3A_105, %logistic3A_106 : vector<2000x128xf32>
    %slice3A_108 = vector.extract_strided_slice %add3A_75 {offsets = [0, 256], sizes = [2000, 128], strides = [1, 1]} : vector<2000x384xf32> to vector<2000x128xf32>
    %slice3A_109 = vector.extract_strided_slice %add3A_89 {offsets = [0, 256], sizes = [2000, 128], strides = [1, 1]} : vector<2000x384xf32> to vector<2000x128xf32>
    %mul3A_110 = arith.mulf %logistic3A_98, %slice3A_109 : vector<2000x128xf32>
    %add3A_111 = arith.addf %slice3A_108, %mul3A_110 : vector<2000x128xf32>
    %tanh3A_112 = math.tanh %add3A_111 : vector<2000x128xf32>
    %sub3A_113 = arith.constant 1.000000e+00 : f32
    %sub3A_114 = vector.broadcast %sub3A_113 : f32 to vector<2000x128xf32>
    %sub3A_115 = arith.subf %sub3A_114, %logistic3A_107 : vector<2000x128xf32>
    %mul3A_116 = arith.mulf %sub3A_115, %tanh3A_112 : vector<2000x128xf32>
    %mul3A_117 = arith.mulf %logistic3A_107, %add3A_61 : vector<2000x128xf32>
    %add3A_118 = arith.addf %mul3A_116, %mul3A_117 : vector<2000x128xf32>
    %swap3A = arith.constant 0 : index
    %swap3A_119 = arith.constant 0 : index
    %swap3A_120 = vector.load %arg7[%swap3A, %swap3A_119] : memref<2000x128xf32, #tpu.memory_space<vmem>>, vector<2000x128xf32>
    tpu.vector_store %arg7[%swap3A, %swap3A_119], %add3A_118 {strides = array<i32>} : memref<2000x128xf32, #tpu.memory_space<vmem>>, vector<2000x128xf32>,
    return
  }
  func.func @transform_0(%arg0: i32) -> (i32, i32, i32) {
    %c0_i32 = arith.constant 0 : i32
    %c0_i32_0 = arith.constant 0 : i32
    %c0_i32_1 = arith.constant 0 : i32
    return %c0_i32, %arg0, %c0_i32_0 : i32, i32, i32
  }
  func.func @transform_1(%arg0: i32) -> (i32, i32) {
    %c0_i32 = arith.constant 0 : i32
    %c0_i32_0 = arith.constant 0 : i32
    return %arg0, %c0_i32 : i32, i32
  }
  func.func @transform_2(%arg0: i32) -> (i32, i32, i32) {
    %c0_i32 = arith.constant 0 : i32
    %c0_i32_0 = arith.constant 0 : i32
    %c0_i32_1 = arith.constant 0 : i32
    %c0_i32_2 = arith.constant 0 : i32
    return %c0_i32, %c0_i32_0, %c0_i32_1 : i32, i32, i32
  }
  func.func @transform_3(%arg0: i32) -> (i32, i32, i32) {
    %c0_i32 = arith.constant 0 : i32
    %c0_i32_0 = arith.constant 0 : i32
    %c0_i32_1 = arith.constant 0 : i32
    %c0_i32_2 = arith.constant 0 : i32
    return %c0_i32, %c0_i32_0, %c0_i32_1 : i32, i32, i32
  }
  func.func @transform_4(%arg0: i32) -> (i32, i32) {
    %c0_i32 = arith.constant 0 : i32
    %c0_i32_0 = arith.constant 0 : i32
    %c0_i32_1 = arith.constant 0 : i32
    return %c0_i32, %c0_i32_0 : i32, i32
  }
  func.func @transform_5(%arg0: i32) -> (i32, i32) {
    %c0_i32 = arith.constant 0 : i32
    %c0_i32_0 = arith.constant 0 : i32
    %c0_i32_1 = arith.constant 0 : i32
    return %c0_i32, %c0_i32_0 : i32, i32
  }
  func.func @transform_6(%arg0: i32) -> (i32, i32) {
    %c0_i32 = arith.constant 0 : i32
    %c0_i32_0 = arith.constant 0 : i32
    return %arg0, %c0_i32 : i32, i32
  }
}

module attributes {stable_mosaic.version = 14 : i64} {
  func.func @body(%arg0: i32, %arg1: memref<2x2000x128xf32, #tpu.memory_space<vmem>>, %arg2: memref<2000x128xf32, #tpu.memory_space<vmem>>, %arg3: memref<2x128x384xf32, #tpu.memory_space<vmem>>, %arg4: memref<2x128x384xf32, #tpu.memory_space<vmem>>, %arg5: memref<2x384xf32, #tpu.memory_space<vmem>>, %arg6: memref<2x384xf32, #tpu.memory_space<vmem>>, %arg7: memref<128x1xf32, #tpu.memory_space<vmem>>, %arg8: memref<1x1xf32, #tpu.memory_space<vmem>>, %arg9: memref<2000x1xf32, #tpu.memory_space<vmem>>) attributes {dimension_semantics = [#tpu.dimension_semantics<arbitrary>], iteration_bounds = array<i64: 5>, scalar_prefetch = 0 : i64, scratch_operands = 0 : i64, tpu.core_type = #tpu.core_type<tc>, window_params = [{transform_indices = @transform_0, window_bounds = array<i64: 2, 2000, 128>}, {transform_indices = @transform_1, window_bounds = array<i64: 2000, 128>}, {pipeline_mode = #tpu.pipeline_mode<synchronous>, transform_indices = @transform_2, window_bounds = array<i64: 2, 128, 384>}, {pipeline_mode = #tpu.pipeline_mode<synchronous>, transform_indices = @transform_3, window_bounds = array<i64: 2, 128, 384>}, {pipeline_mode = #tpu.pipeline_mode<synchronous>, transform_indices = @transform_4, window_bounds = array<i64: 2, 384>}, {pipeline_mode = #tpu.pipeline_mode<synchronous>, transform_indices = @transform_5, window_bounds = array<i64: 2, 384>}, {pipeline_mode = #tpu.pipeline_mode<synchronous>, transform_indices = @transform_6, window_bounds = array<i64: 128, 1>}, {pipeline_mode = #tpu.pipeline_mode<synchronous>, transform_indices = @transform_7, window_bounds = array<i64: 1, 1>}, {transform_indices = @transform_8, window_bounds = array<i64: 2000, 1>}]} {
    %get3A = arith.constant 0 : index
    %get3A_0 = arith.constant 0 : index
    %get3A_1 = arith.constant 0 : index
    %get3A_2 = vector.load %arg1[%get3A, %get3A_0, %get3A_1] : memref<2x2000x128xf32, #tpu.memory_space<vmem>>, vector<1x2000x128xf32>
    %get3A_3 = vector.shape_cast %get3A_2 : vector<1x2000x128xf32> to vector<2000x128xf32>
    %get3A_4 = arith.constant 1 : index
    %get3A_5 = arith.constant 0 : index
    %get3A_6 = arith.constant 0 : index
    %get3A_7 = vector.load %arg1[%get3A_4, %get3A_5, %get3A_6] : memref<2x2000x128xf32, #tpu.memory_space<vmem>>, vector<1x2000x128xf32>
    %get3A_8 = vector.shape_cast %get3A_7 : vector<1x2000x128xf32> to vector<2000x128xf32>
    %add3A = arith.addf %get3A_3, %get3A_8 : vector<2000x128xf32>
    %get3A_9 = arith.constant 0 : index
    %get3A_10 = arith.constant 0 : index
    %get3A_11 = vector.load %arg2[%get3A_9, %get3A_10] : memref<2000x128xf32, #tpu.memory_space<vmem>>, vector<2000x128xf32>
    %get3A_12 = arith.constant 0 : index
    %get3A_13 = arith.constant 0 : index
    %get3A_14 = arith.constant 0 : index
    %get3A_15 = vector.load %arg3[%get3A_12, %get3A_13, %get3A_14] : memref<2x128x384xf32, #tpu.memory_space<vmem>>, vector<1x128x384xf32>
    %get3A_16 = vector.shape_cast %get3A_15 : vector<1x128x384xf32> to vector<128x384xf32>
    %dot_general3A = arith.constant dense<0.000000e+00> : vector<2000x384xf32>
    %dot_general3A_17 = tpu.matmul %add3A, %get3A_16, %dot_general3A {dimension_numbers = #tpu.dot_dimension_numbers<[1], [0], [0], [1], [0, 0, 1, 1], [], []>, transpose_lhs_hint = false} : vector<2000x128xf32>, vector<128x384xf32>, vector<2000x384xf32> -> vector<2000x384xf32>
    %get3A_18 = arith.constant 0 : index
    %get3A_19 = arith.constant 0 : index
    %get3A_20 = vector.load %arg5[%get3A_18, %get3A_19] : memref<2x384xf32, #tpu.memory_space<vmem>>, vector<1x384xf32>
    %get3A_21 = vector.shape_cast %get3A_20 : vector<1x384xf32> to vector<384xf32>
    %broadcast_in_dim3A = vector.shape_cast %get3A_21 : vector<384xf32> to vector<1x384xf32>
    %add3A_22 = vector.broadcast %broadcast_in_dim3A : vector<1x384xf32> to vector<2000x384xf32>
    %add3A_23 = arith.addf %dot_general3A_17, %add3A_22 : vector<2000x384xf32>
    %get3A_24 = arith.constant 0 : index
    %get3A_25 = arith.constant 0 : index
    %get3A_26 = arith.constant 0 : index
    %get3A_27 = vector.load %arg4[%get3A_24, %get3A_25, %get3A_26] : memref<2x128x384xf32, #tpu.memory_space<vmem>>, vector<1x128x384xf32>
    %get3A_28 = vector.shape_cast %get3A_27 : vector<1x128x384xf32> to vector<128x384xf32>
    %dot_general3A_29 = arith.constant dense<0.000000e+00> : vector<2000x384xf32>
    %dot_general3A_30 = tpu.matmul %get3A_11, %get3A_28, %dot_general3A_29 {dimension_numbers = #tpu.dot_dimension_numbers<[1], [0], [0], [1], [0, 0, 1, 1], [], []>, transpose_lhs_hint = false} : vector<2000x128xf32>, vector<128x384xf32>, vector<2000x384xf32> -> vector<2000x384xf32>
    %get3A_31 = arith.constant 0 : index
    %get3A_32 = arith.constant 0 : index
    %get3A_33 = vector.load %arg6[%get3A_31, %get3A_32] : memref<2x384xf32, #tpu.memory_space<vmem>>, vector<1x384xf32>
    %get3A_34 = vector.shape_cast %get3A_33 : vector<1x384xf32> to vector<384xf32>
    %broadcast_in_dim3A_35 = vector.shape_cast %get3A_34 : vector<384xf32> to vector<1x384xf32>
    %add3A_36 = vector.broadcast %broadcast_in_dim3A_35 : vector<1x384xf32> to vector<2000x384xf32>
    %add3A_37 = arith.addf %dot_general3A_30, %add3A_36 : vector<2000x384xf32>
    %slice3A = vector.extract_strided_slice %add3A_23 {offsets = [0, 0], sizes = [2000, 128], strides = [1, 1]} : vector<2000x384xf32> to vector<2000x128xf32>
    %slice3A_38 = vector.extract_strided_slice %add3A_37 {offsets = [0, 0], sizes = [2000, 128], strides = [1, 1]} : vector<2000x384xf32> to vector<2000x128xf32>
    %add3A_39 = arith.addf %slice3A, %slice3A_38 : vector<2000x128xf32>
    %logistic3A = arith.negf %add3A_39 : vector<2000x128xf32>
    %logistic3A_40 = math.exp %logistic3A : vector<2000x128xf32>
    %logistic3A_41 = arith.constant 1.000000e+00 : f32
    %logistic3A_42 = vector.broadcast %logistic3A_41 : f32 to vector<2000x128xf32>
    %logistic3A_43 = arith.addf %logistic3A_42, %logistic3A_40 : vector<2000x128xf32>
    %logistic3A_44 = arith.divf %logistic3A_42, %logistic3A_43 : vector<2000x128xf32>
    %slice3A_45 = vector.extract_strided_slice %add3A_23 {offsets = [0, 128], sizes = [2000, 128], strides = [1, 1]} : vector<2000x384xf32> to vector<2000x128xf32>
    %slice3A_46 = vector.extract_strided_slice %add3A_37 {offsets = [0, 128], sizes = [2000, 128], strides = [1, 1]} : vector<2000x384xf32> to vector<2000x128xf32>
    %add3A_47 = arith.addf %slice3A_45, %slice3A_46 : vector<2000x128xf32>
    %logistic3A_48 = arith.negf %add3A_47 : vector<2000x128xf32>
    %logistic3A_49 = math.exp %logistic3A_48 : vector<2000x128xf32>
    %logistic3A_50 = arith.constant 1.000000e+00 : f32
    %logistic3A_51 = vector.broadcast %logistic3A_50 : f32 to vector<2000x128xf32>
    %logistic3A_52 = arith.addf %logistic3A_51, %logistic3A_49 : vector<2000x128xf32>
    %logistic3A_53 = arith.divf %logistic3A_51, %logistic3A_52 : vector<2000x128xf32>
    %slice3A_54 = vector.extract_strided_slice %add3A_23 {offsets = [0, 256], sizes = [2000, 128], strides = [1, 1]} : vector<2000x384xf32> to vector<2000x128xf32>
    %slice3A_55 = vector.extract_strided_slice %add3A_37 {offsets = [0, 256], sizes = [2000, 128], strides = [1, 1]} : vector<2000x384xf32> to vector<2000x128xf32>
    %mul3A = arith.mulf %logistic3A_44, %slice3A_55 : vector<2000x128xf32>
    %add3A_56 = arith.addf %slice3A_54, %mul3A : vector<2000x128xf32>
    %tanh3A = math.tanh %add3A_56 : vector<2000x128xf32>
    %sub3A = arith.constant 1.000000e+00 : f32
    %sub3A_57 = vector.broadcast %sub3A : f32 to vector<2000x128xf32>
    %sub3A_58 = arith.subf %sub3A_57, %logistic3A_53 : vector<2000x128xf32>
    %mul3A_59 = arith.mulf %sub3A_58, %tanh3A : vector<2000x128xf32>
    %mul3A_60 = arith.mulf %logistic3A_53, %get3A_11 : vector<2000x128xf32>
    %add3A_61 = arith.addf %mul3A_59, %mul3A_60 : vector<2000x128xf32>
    %get3A_62 = arith.constant 1 : index
    %get3A_63 = arith.constant 0 : index
    %get3A_64 = arith.constant 0 : index
    %get3A_65 = vector.load %arg3[%get3A_62, %get3A_63, %get3A_64] : memref<2x128x384xf32, #tpu.memory_space<vmem>>, vector<1x128x384xf32>
    %get3A_66 = vector.shape_cast %get3A_65 : vector<1x128x384xf32> to vector<128x384xf32>
    %dot_general3A_67 = arith.constant dense<0.000000e+00> : vector<2000x384xf32>
    %dot_general3A_68 = tpu.matmul %add3A_61, %get3A_66, %dot_general3A_67 {dimension_numbers = #tpu.dot_dimension_numbers<[1], [0], [0], [1], [0, 0, 1, 1], [], []>, transpose_lhs_hint = false} : vector<2000x128xf32>, vector<128x384xf32>, vector<2000x384xf32> -> vector<2000x384xf32>
    %get3A_69 = arith.constant 1 : index
    %get3A_70 = arith.constant 0 : index
    %get3A_71 = vector.load %arg5[%get3A_69, %get3A_70] : memref<2x384xf32, #tpu.memory_space<vmem>>, vector<1x384xf32>
    %get3A_72 = vector.shape_cast %get3A_71 : vector<1x384xf32> to vector<384xf32>
    %broadcast_in_dim3A_73 = vector.shape_cast %get3A_72 : vector<384xf32> to vector<1x384xf32>
    %add3A_74 = vector.broadcast %broadcast_in_dim3A_73 : vector<1x384xf32> to vector<2000x384xf32>
    %add3A_75 = arith.addf %dot_general3A_68, %add3A_74 : vector<2000x384xf32>
    %get3A_76 = arith.constant 1 : index
    %get3A_77 = arith.constant 0 : index
    %get3A_78 = arith.constant 0 : index
    %get3A_79 = vector.load %arg4[%get3A_76, %get3A_77, %get3A_78] : memref<2x128x384xf32, #tpu.memory_space<vmem>>, vector<1x128x384xf32>
    %get3A_80 = vector.shape_cast %get3A_79 : vector<1x128x384xf32> to vector<128x384xf32>
    %dot_general3A_81 = arith.constant dense<0.000000e+00> : vector<2000x384xf32>
    %dot_general3A_82 = tpu.matmul %add3A_61, %get3A_80, %dot_general3A_81 {dimension_numbers = #tpu.dot_dimension_numbers<[1], [0], [0], [1], [0, 0, 1, 1], [], []>, transpose_lhs_hint = false} : vector<2000x128xf32>, vector<128x384xf32>, vector<2000x384xf32> -> vector<2000x384xf32>
    %get3A_83 = arith.constant 1 : index
    %get3A_84 = arith.constant 0 : index
    %get3A_85 = vector.load %arg6[%get3A_83, %get3A_84] : memref<2x384xf32, #tpu.memory_space<vmem>>, vector<1x384xf32>
    %get3A_86 = vector.shape_cast %get3A_85 : vector<1x384xf32> to vector<384xf32>
    %broadcast_in_dim3A_87 = vector.shape_cast %get3A_86 : vector<384xf32> to vector<1x384xf32>
    %add3A_88 = vector.broadcast %broadcast_in_dim3A_87 : vector<1x384xf32> to vector<2000x384xf32>
    %add3A_89 = arith.addf %dot_general3A_82, %add3A_88 : vector<2000x384xf32>
    %slice3A_90 = vector.extract_strided_slice %add3A_75 {offsets = [0, 0], sizes = [2000, 128], strides = [1, 1]} : vector<2000x384xf32> to vector<2000x128xf32>
    %slice3A_91 = vector.extract_strided_slice %add3A_89 {offsets = [0, 0], sizes = [2000, 128], strides = [1, 1]} : vector<2000x384xf32> to vector<2000x128xf32>
    %add3A_92 = arith.addf %slice3A_90, %slice3A_91 : vector<2000x128xf32>
    %logistic3A_93 = arith.negf %add3A_92 : vector<2000x128xf32>
    %logistic3A_94 = math.exp %logistic3A_93 : vector<2000x128xf32>
    %logistic3A_95 = arith.constant 1.000000e+00 : f32
    %logistic3A_96 = vector.broadcast %logistic3A_95 : f32 to vector<2000x128xf32>
    %logistic3A_97 = arith.addf %logistic3A_96, %logistic3A_94 : vector<2000x128xf32>
    %logistic3A_98 = arith.divf %logistic3A_96, %logistic3A_97 : vector<2000x128xf32>
    %slice3A_99 = vector.extract_strided_slice %add3A_75 {offsets = [0, 128], sizes = [2000, 128], strides = [1, 1]} : vector<2000x384xf32> to vector<2000x128xf32>
    %slice3A_100 = vector.extract_strided_slice %add3A_89 {offsets = [0, 128], sizes = [2000, 128], strides = [1, 1]} : vector<2000x384xf32> to vector<2000x128xf32>
    %add3A_101 = arith.addf %slice3A_99, %slice3A_100 : vector<2000x128xf32>
    %logistic3A_102 = arith.negf %add3A_101 : vector<2000x128xf32>
    %logistic3A_103 = math.exp %logistic3A_102 : vector<2000x128xf32>
    %logistic3A_104 = arith.constant 1.000000e+00 : f32
    %logistic3A_105 = vector.broadcast %logistic3A_104 : f32 to vector<2000x128xf32>
    %logistic3A_106 = arith.addf %logistic3A_105, %logistic3A_103 : vector<2000x128xf32>
    %logistic3A_107 = arith.divf %logistic3A_105, %logistic3A_106 : vector<2000x128xf32>
    %slice3A_108 = vector.extract_strided_slice %add3A_75 {offsets = [0, 256], sizes = [2000, 128], strides = [1, 1]} : vector<2000x384xf32> to vector<2000x128xf32>
    %slice3A_109 = vector.extract_strided_slice %add3A_89 {offsets = [0, 256], sizes = [2000, 128], strides = [1, 1]} : vector<2000x384xf32> to vector<2000x128xf32>
    %mul3A_110 = arith.mulf %logistic3A_98, %slice3A_109 : vector<2000x128xf32>
    %add3A_111 = arith.addf %slice3A_108, %mul3A_110 : vector<2000x128xf32>
    %tanh3A_112 = math.tanh %add3A_111 : vector<2000x128xf32>
    %sub3A_113 = arith.constant 1.000000e+00 : f32
    %sub3A_114 = vector.broadcast %sub3A_113 : f32 to vector<2000x128xf32>
    %sub3A_115 = arith.subf %sub3A_114, %logistic3A_107 : vector<2000x128xf32>
    %mul3A_116 = arith.mulf %sub3A_115, %tanh3A_112 : vector<2000x128xf32>
    %mul3A_117 = arith.mulf %logistic3A_107, %add3A_61 : vector<2000x128xf32>
    %add3A_118 = arith.addf %mul3A_116, %mul3A_117 : vector<2000x128xf32>
    %tanh3A_119 = math.tanh %add3A_118 : vector<2000x128xf32>
    %get3A_120 = arith.constant 0 : index
    %get3A_121 = arith.constant 0 : index
    %get3A_122 = vector.load %arg7[%get3A_120, %get3A_121] : memref<128x1xf32, #tpu.memory_space<vmem>>, vector<128x1xf32>
    %dot_general3A_123 = arith.constant dense<0.000000e+00> : vector<2000x1xf32>
    %dot_general3A_124 = tpu.matmul %tanh3A_119, %get3A_122, %dot_general3A_123 {dimension_numbers = #tpu.dot_dimension_numbers<[1], [0], [0], [1], [0, 0, 1, 1], [], []>, transpose_lhs_hint = false} : vector<2000x128xf32>, vector<128x1xf32>, vector<2000x1xf32> -> vector<2000x1xf32>
    %get3A_125 = arith.constant 0 : index
    %get3A_126 = arith.constant 0 : index
    %get3A_127 = vector.load %arg8[%get3A_125, %get3A_126] : memref<1x1xf32, #tpu.memory_space<vmem>>, vector<1x1xf32>
    %add3A_128 = vector.broadcast %get3A_127 : vector<1x1xf32> to vector<2000x1xf32>
    %add3A_129 = arith.addf %dot_general3A_124, %add3A_128 : vector<2000x1xf32>
    %swap3A = arith.constant 0 : index
    %swap3A_130 = arith.constant 0 : index
    %swap3A_131 = vector.load %arg9[%swap3A, %swap3A_130] : memref<2000x1xf32, #tpu.memory_space<vmem>>, vector<2000x1xf32>
    tpu.vector_store %arg9[%swap3A, %swap3A_130], %add3A_129 {strides = array<i32>} : memref<2000x1xf32, #tpu.memory_space<vmem>>, vector<2000x1xf32>,
    return
  }
  func.func @transform_0(%arg0: i32) -> (i32, i32, i32) {
    %c0_i32 = arith.constant 0 : i32
    %c0_i32_0 = arith.constant 0 : i32
    %c0_i32_1 = arith.constant 0 : i32
    return %c0_i32, %arg0, %c0_i32_0 : i32, i32, i32
  }
  func.func @transform_1(%arg0: i32) -> (i32, i32) {
    %c0_i32 = arith.constant 0 : i32
    %c0_i32_0 = arith.constant 0 : i32
    return %arg0, %c0_i32 : i32, i32
  }
  func.func @transform_2(%arg0: i32) -> (i32, i32, i32) {
    %c0_i32 = arith.constant 0 : i32
    %c0_i32_0 = arith.constant 0 : i32
    %c0_i32_1 = arith.constant 0 : i32
    %c0_i32_2 = arith.constant 0 : i32
    return %c0_i32, %c0_i32_0, %c0_i32_1 : i32, i32, i32
  }
  func.func @transform_3(%arg0: i32) -> (i32, i32, i32) {
    %c0_i32 = arith.constant 0 : i32
    %c0_i32_0 = arith.constant 0 : i32
    %c0_i32_1 = arith.constant 0 : i32
    %c0_i32_2 = arith.constant 0 : i32
    return %c0_i32, %c0_i32_0, %c0_i32_1 : i32, i32, i32
  }
  func.func @transform_4(%arg0: i32) -> (i32, i32) {
    %c0_i32 = arith.constant 0 : i32
    %c0_i32_0 = arith.constant 0 : i32
    %c0_i32_1 = arith.constant 0 : i32
    return %c0_i32, %c0_i32_0 : i32, i32
  }
  func.func @transform_5(%arg0: i32) -> (i32, i32) {
    %c0_i32 = arith.constant 0 : i32
    %c0_i32_0 = arith.constant 0 : i32
    %c0_i32_1 = arith.constant 0 : i32
    return %c0_i32, %c0_i32_0 : i32, i32
  }
  func.func @transform_6(%arg0: i32) -> (i32, i32) {
    %c0_i32 = arith.constant 0 : i32
    %c0_i32_0 = arith.constant 0 : i32
    %c0_i32_1 = arith.constant 0 : i32
    return %c0_i32, %c0_i32_0 : i32, i32
  }
  func.func @transform_7(%arg0: i32) -> (i32, i32) {
    %c0_i32 = arith.constant 0 : i32
    %c0_i32_0 = arith.constant 0 : i32
    %c0_i32_1 = arith.constant 0 : i32
    return %c0_i32, %c0_i32_0 : i32, i32
  }
  func.func @transform_8(%arg0: i32) -> (i32, i32) {
    %c0_i32 = arith.constant 0 : i32
    %c0_i32_0 = arith.constant 0 : i32
    return %arg0, %c0_i32 : i32, i32
  }
}

</mosaic_0001>

<sc_bundles>
// kernel: kernel.12.cloned.1.call-start
scs
__scs_entry_jumppad:
0x0: {  	(pc) =	sbr.rel $0x88, $3  }
0x1: {  	(tag) =	ssettag $0x0;
	lr =	simm.s32 $0x1  }
0x2: {  	[smem:$0x3F97] =	sst lr;
	_ =	strace $0xD0000000  }
0x3: {  	_ = 	snop  }
0x4: {  	_ = 	snop  }
0x5: {  	_ = 	snop  }
0x6: {  	_ = 	snop  }
0x7: {  	_ = 	snop  }
__scs_overlays_trampoline_lowered:
0x8: {  	[smem:$0x3FA6] =	sst s0  }
0x9: {  	[smem:$0x3FA7] =	sst s1  }
0xa: {  	[smem:$0x3FA8] =	sst s2  }
0xb: {  	[smem:$0x3FA9] =	sst s3  }
0xc: {  	[smem:$0x3FAA] =	sst s4  }
0xd: {  	[smem:$0x3FAB] =	sst s5  }
0xe: {  	[smem:$0x3FAC] =	sst s6  }
0xf: {  	[smem:$0x3FAD] =	sst s7  }
0x10: {  	[smem:$0x3FAE] =	sst s8  }
0x11: {  	[smem:$0x3FAF] =	sst s9;
	s0 =	simm.s32 @!p0 $0x0  }
0x12: {  	s1 =	sld [smem:$0x3F95];
	s0 =	simm.s32 @p0 $0x1  }
0x13: {  	[smem:$0x3FB0] =	sst s0;
	s0 =	simm.s32 @!p1 $0x0  }
0x14: {  	s2 =	sld [smem:$0x3F94];
	s0 =	simm.s32 @p1 $0x1  }
0x15: {  	[smem:$0x3FB1] =	sst s0;
	s0 =	simm.s32 @!p2 $0x0  }
0x16: {  	s3 =	sld [smem:$0x3FDB];
	s0 =	simm.s32 @p2 $0x1  }
0x17: {  	s4 =	simm.s32 $0x1BF5;
	[smem:$0x3FB3] =	sst s0  }
0x18: {  	s0 =	sld [smem:$0x3F96];
	_ =	swait.ge [sflag:s4], $0x0  }
0x19: {  	s7 =	sld [smem:$0x3F97]  }
0x1a: {  	s8 =	sadd.s32 $0xFFFFE003, lr  }
0x1b: {  	s9 =	sadd.s32 $0xFFFFFEF7, lr;
	s5 =	simm.s32 $0xFFFFFFFF;
	p2 =	slt.u32 s8, $0xFFFFF086  }
0x1c: {  	p1 =	slt.u32 s9, $0xF7A;
	s5 =	simm.s32 @!p2 $0x0  }
0x1d: {  	s5 =	simm.s32 @p1 $0x1;
	p0 =	seq.s32 s7, s2  }
0x1e: {  	s7 =	smul.u32 @!p0 $0xF7A, s2;
	p2 =	seq.s32 @!p0 s5, $0x0  }
0x1f: {  	s9 =	smul.u32 $0xF7A, s1;
	s8 =	simm.s32 @!p0 $0x1BF5;
	p2 =	por !p2, p0  }
0x20: {  	[sflag:s8] =	ssyncset.s32 @!p0 $0xFFFFF086;
	s6 =	sadd.s32 @!p0 s3, s7;
	s7 =	simm.s32 @!p0 $0x108  }
0x21: {  	s3 =	sadd.s32 s3, s9;
	s6 =	sadd.s32 @!p0 $0x88, s6;
	s7 =	simm.s32 @p2 $0x1082  }
0x22: {  	[simem:s7], [sflag:s8] =	dma.local @!p0 [hbm:s6], $0xF7A  }
0x23: {  	s9 =	sor.u32 $0xD0000000, s2;
	s6 =	simm.s32 $0x108;
	_ =	swait.ge @!p0 [sflag:s8], $0x0  }
0x24: {  	s3 =	sadd.s32 $0x88, s3;
	s6 =	simm.s32 @!p1 $0x1082;
	[sflag:s4] =	ssyncset.s32 $0xFFFFF086  }
0x25: {  	[simem:s6], [sflag:s4] =	dma.local [hbm:s3], $0xF7A  }
0x26: {  	[smem:$0x3F97] =	sst s1;
	(tag) =	ssettag s2;
	_ =	strace s9  }
0x27: {  	s1 =	sld [smem:$0x3FA7]  }
0x28: {  	s2 =	sld [smem:$0x3FA8]  }
0x29: {  	s4 =	sld [smem:$0x3FAA]  }
0x2a: {  	p0 =	seq.s32 s5, $0x0;
	s5 =	sld [smem:$0x3FAB]  }
0x2b: {  	s6 =	sld [smem:$0x3FAC]  }
0x2c: {  	s7 =	sld [smem:$0x3FAD]  }
0x2d: {  	s3 =	simm.s32 $0x108;
	s8 =	sld [smem:$0x3FAE]  }
0x2e: {  	s3 =	simm.s32 @!p0 $0x1082;
	s9 =	sld [smem:$0x3FAF]  }
0x2f: {  	lr =	sadd.s32 s0, s3;
	s0 =	sld [smem:$0x3FA6]  }
0x30: {  	s3 =	sld [smem:$0x3FA9]  }
0x31: {  	[smem:$0x3FB2] =	sst s10  }
0x32: {  	s10 =	sld [smem:$0x3FB0];
	_ =	sdelay $0x3  }
0x33: {  	p0 =	seq.s32 s10, $0x1;
	s10 =	sld [smem:$0x3FB2];
	_ =	sdelay $0x3  }
0x34: {  	[smem:$0x3FB2] =	sst s10  }
0x35: {  	s10 =	sld [smem:$0x3FB1];
	_ =	sdelay $0x3  }
0x36: {  	p1 =	seq.s32 s10, $0x1;
	s10 =	sld [smem:$0x3FB2];
	_ =	sdelay $0x3  }
0x37: {  	[smem:$0x3FB2] =	sst s10  }
0x38: {  	s10 =	sld [smem:$0x3FB3]  }
0x39: {  	_ = 	snop;
	(pc) =	sbr.ind lr, $3  }
0x3a: {  	_ = 	snop  }
0x3b: {  	_ = 	snop  }
0x3c: {  	p2 =	seq.s32 s10, $0x1;
	s10 =	sld [smem:$0x3FB2]  }
0x3d: {  	_ =	shalt  }
0x3e: {  	_ =	shalt  }
0x3f: {  	_ =	shalt  }
0x40: {  	_ =	shalt  }
0x41: {  	_ =	shalt  }
0x42: {  	_ =	shalt  }
0x43: {  	_ =	shalt  }
0x44: {  	_ =	shalt  }
0x45: {  	_ =	shalt  }
0x46: {  	_ =	shalt  }
0x47: {  	_ =	shalt  }
0x48: {  	_ =	shalt  }
0x49: {  	_ =	shalt  }
0x4a: {  	_ =	shalt  }
0x4b: {  	_ =	shalt  }
0x4c: {  	_ =	shalt  }
0x4d: {  	_ =	shalt  }
0x4e: {  	_ =	shalt  }
0x4f: {  	_ =	shalt  }
0x50: {  	_ =	shalt  }
0x51: {  	_ =	shalt  }
0x52: {  	_ =	shalt  }
0x53: {  	_ =	shalt  }
0x54: {  	_ =	shalt  }
0x55: {  	_ =	shalt  }
0x56: {  	_ =	shalt  }
0x57: {  	_ =	shalt  }
0x58: {  	_ =	shalt  }
0x59: {  	_ =	shalt  }
0x5a: {  	_ =	shalt  }
0x5b: {  	_ =	shalt  }
0x5c: {  	_ =	shalt  }
0x5d: {  	_ =	shalt  }
0x5e: {  	_ =	shalt  }
0x5f: {  	_ =	shalt  }
0x60: {  	_ =	shalt  }
0x61: {  	_ =	shalt  }
0x62: {  	_ =	shalt  }
0x63: {  	_ =	shalt  }
0x64: {  	_ =	shalt  }
0x65: {  	_ =	shalt  }
0x66: {  	_ =	shalt  }
0x67: {  	_ =	shalt  }
0x68: {  	_ =	shalt  }
0x69: {  	_ =	shalt  }
0x6a: {  	_ =	shalt  }
0x6b: {  	_ =	shalt  }
0x6c: {  	_ =	shalt  }
0x6d: {  	_ =	shalt  }
0x6e: {  	_ =	shalt  }
0x6f: {  	_ =	shalt  }
0x70: {  	_ =	shalt  }
0x71: {  	_ =	shalt  }
0x72: {  	_ =	shalt  }
0x73: {  	_ =	shalt  }
0x74: {  	_ =	shalt  }
0x75: {  	_ =	shalt  }
0x76: {  	_ =	shalt  }
0x77: {  	_ =	shalt  }
0x78: {  	_ =	shalt  }
0x79: {  	_ =	shalt  }
0x7a: {  	_ =	shalt  }
0x7b: {  	_ =	shalt  }
0x7c: {  	_ =	shalt  }
0x7d: {  	_ =	shalt  }
0x7e: {  	_ =	shalt  }
0x7f: {  	_ =	shalt  }
0x80: {  	_ =	shalt  }
0x81: {  	_ =	shalt  }
0x82: {  	_ =	shalt  }
0x83: {  	_ =	shalt  }
0x84: {  	_ =	shalt  }
0x85: {  	_ =	shalt  }
0x86: {  	_ =	shalt  }
0x87: {  	_ =	shalt  }
.Lfunc_end0:
.L_simem_size_0:
called_computation.1_lowered:
.L_overlay_start_0:
0x88: {  	s2 =	sld [smem:$0x3FD9]  }
0x89: {  	s3 =	sld [smem:$0x3FFE];
	_ =	sdelay $0x1  }
0x8a: {  	s1 =	srdreg.scid  }
0x8b: {  	s0 =	sand.u32 $0x1, s1  }
0x8c: {  	s16 =	sshll.u32 s0, $0xA;
	s2 =	sadd.s32 s3, s2  }
0x8d: {  	s2 =	sadd.s32 s2, s16  }
0x8e: {  	[smem:$0x3FBE] =	sst s2  }
0x8f: {  	_ = 	snop  }
0x90: {  	(tm) =	ssettm $0x1  }
0x91: {  	s17 =	sld [smem:$0x3FFB];
	_ =	sdelay $0x3  }
0x92: {  	_ =	strace s17  }
0x93: {  	s2 =	sld [smem:$0x3FFC];
	_ =	sdelay $0x3  }
0x94: {  	_ =	strace s2  }
0x95: {  	s2 =	sld [smem:$0x3FFD];
	_ =	sdelay $0x3  }
0x96: {  	_ =	strace s2  }
0x97: {  	_ =	strace $0x8FFFFFFF  }
0x98: {  	s18 =	sld [smem:$0x3FDB];
	_ =	sdelay $0x1  }
0x99: {  	s19 =	simm.s32 $_scs_section_size  }
0x9a: {  	s4 =	simm.s32 $_size__tile_overlayer_lowered;
	s5 =	simm.s32 $_tile_overlayer_lowered  }
0x9b: {  	s22 =	simm.s32 $0x1BFF;
	s21 =	sshll.u32 s5, $0x1;
	s2 =	sadd.s32 s19, s18  }
0x9c: {  	s6 =	simm.s32 $0x0;
	s20 =	sshll.u32 s4, $0x1;
	s4 =	sadd.s32 s21, s2  }
0x9d: {  	[timem:s6], [sflag:s22] =	dma.local [hbm:s4], s20  }
0x9e: {  	_ =	swait.ge [sflag:s22], s20  }
0x9f: {  	s3 =	ssub.s32 $0x0, s20;
	[sflag:s22] =	ssyncset.done $0x0  }
0xa0: {  	[sflag:s22] =	ssyncadd.s32 s3;
	_ =	sdelay $0x1  }
0xa1: {  	s23 =	simm.s32 $0x1B8B  }
0xa2: {  	_ =	swait.ge [sflag:s23], $0x1  }
0xa3: {  	[sflag:s23] =	ssyncset.done $0x0  }
0xa4: {  	s25 =	simm.s32 $0x1B8E;
	s24 =	sld [smem:$0x3FFE];
	[sflag:s23] =	ssyncadd.s32 $0xFFFFFFFF  }
0xa5: {  	s26 =	simm.s32 $execute0_lowered;
	[smem:$0x3FD2] =	sst s25  }
0xa6: {  	s4 =	sshll.u32 s26, $0x1;
	_ =	strace $0x80000049;
	[dreg:$0x1] =	wrdreg $0xFFFFFFFF  }
0xa7: {  	s28 =	simm.s32 $_size_execute0_lowered;
	s2 =	sadd.s32 s2, s4;
	[dreg:$0x0] =	wrdreg $0x0  }
0xa8: {  	s4 =	sshll.u32 s28, $0x1;
	[dreg:$0x2] =	wrdreg s2  }
0xa9: {  	[dreg:$0x3] =	wrdreg s4  }
0xaa: {  	[dreg:$0x4] =	wrdreg $0xC0  }
0xab: {  	_ =	task [dreg:s6], $0x5FFFF  }
0xac: {  	[dreg:$0x1] =	wrdreg $0xFFFFFFFF  }
0xad: {  	[dreg:$0x0] =	wrdreg $0x60  }
0xae: {  	[dreg:$0x2] =	wrdreg s24  }
0xaf: {  	[dreg:$0x3] =	wrdreg $0xA8000  }
0xb0: {  	[dreg:$0x4] =	wrdreg $0x9  }
0xb1: {  	_ =	task.clear_ibuf [dreg:s6], $0x5FFFF;
	_ =	strace $0x90000049  }
0xb2: {  	s29 =	simm.s32 $0x9;
	_ =	strace $0x8000004B  }
0xb3: {  	_ =	swait.ge [sflag:s29], $0x1  }
0xb4: {  	[sflag:s29] =	ssyncadd.s32 $0xFFFFFFFF  }
0xb5: {  	_ =	strace $0x9000004B  }
0xb6: {  	_ =	sfence  }
0xb7: {  	s30 =	sld [smem:$0x0];
	_ =	sdelay $0x2  }
0xb8: {  	s31 =	sshll.u32 s1, $0xD;
	s1 =	sshrl.u32 s1, $0x2  }
0xb9: {  	s3 =	sand.u32 $0x4000, s31;
	s1 =	sadd.s32 s1, s30  }
0xba: {  	s0 =	sor.u32 s3, s0;
	s1 =	sshll.u32 s1, $0x11  }
0xbb: {  	s0 =	sor.u32 s1, s0  }
0xbc: {  	s0 =	sadd.s32 $0x8F2B, s0  }
0xbd: {  	[sflag:s0] =	ssyncadd.remote.s32 $0x1  }
0xbe: {  	_ =	sfence.sel $0xFFFF  }
0xbf: {  	[dreg:$0x0] =	wrdreg $0xFFFFFFFF;
	(pc) =	sbr.abs _section_cstart, $3  }
0xc0: {  	[dreg:$0x1] =	wrdreg $0xFFFFFFFF  }
0xc1: {  	_ =	task.clear_ibuf [dreg:s6], $0x2FFFF;
	_ =	strace $0x9FFFFFFF  }
0xc2: {  	(tm) =	ssettm $0x7FFFFFFF  }
0xc3: {  	_ =	shalt  }
tec
execute0_lowered:
.L_overlay_start_1:
0x0: {  	(tag) =	ssettag $0x1  }
0x1: {  	s5 =	rddreg [dreg:$0x0]  }
0x2: {  	s1 =	rddreg [dreg:$0x1]  }
0x3: {  	s0 =	rddreg [dreg:$0x2];
	s3 =	simm.s32 $0x0;
	s4 =	srdreg.scid  }
0x4: {  	s2 =	stileid.u32;
	s14 =	simm.s32 $0x50;
	s15 =	simm.s32 $0x8000  }
0x5: {  	s16 =	simm.s32 $0x1;
	s17 =	simm.s32 $0x0;
	[smem:$0x7FF] =	sst s3  }
0x6: {  	s6 =	sand.u32 $0x1, s4;
	s7 =	sshll.u32 s2, $0xB;
	s8 =	smul.u32 $0x14000, s2  }
0x7: {  	s29 =	smul.u32 $0x50000, s2;
	s31 =	sshll.u32 s2, $0x6;
	s4 =	sshll.u32 s6, $0xF  }
0x8: {  	_ =	strace $0x8000004A;
	s9 =	smul.u32 $0x140000, s6;
	s6 =	ssub.s32 $0x2, s6  }
0x9: {  	s7 =	sor.u32 s7, s4;
	s4 =	sadd.s32 $0x22600, s5;
	s28 =	sshrl.u32 s8, $0x3  }
0xa: {  	s11 =	sshrl.u32 s6, $0x1;
	s30 =	sshrl.u32 s29, $0x2;
	s10 =	sadd.s32 s7, s5  }
0xb: {  	s8 =	sadd.s32 s8, s9;
	s7 =	sadd.s32 s28, s5;
	s11 =	ssub.s32 s6, s11  }
0xc: {  	s13 =	sadd.s32 s30, s1;
	s6 =	sor.u32 $0x1C02, s31;
	s8 =	sshrl.u32 s8, $0x3  }
0xd: {  	s12 =	sadd.s32 s8, s5;
	s5 =	sadd.s32 $0x49800, s7;
	s7 =	sadd.s32 $0x2600, s10  }
0xe: {  	s8 =	sadd.s32 $0x12600, s10;
	s10 =	smax.u32 s11, $0x1;
	s11 =	sshrl.u32 s13, $0x3  }
0xf: {  	s13 =	simm.s32 $0x4000;
	s9 =	sadd.s32 $0x71800, s12;
	s12 =	simm.s32 $0x2  }
.LBB2_1:
0x10: {  	[spmem:s11], [sflag:s6] =	dma.local [hbm:s5], $0x2800  }
0x11: {  	_ =	swait.ge [sflag:s12], $0x2800  }
0x12: {  	[sflag:s12] =	ssyncset.done $0x0  }
0x13: {  	[sflag:s12] =	ssyncadd.s32 $0xFFFFD800  }
0x14: {  	[tilespmem:s3], [sflag:$0x2] =	stream.linear.gather [hbm4b:s7+s3], $0x3E80, $0x38;
	[tilespmem:$0x1E800] =	vst v63  }
0x15: {  	_ =	swait.ge [sflag:s12], $0x3E80  }
0x16: {  	[sflag:s12] =	ssyncset.done $0x0  }
0x17: {  	[sflag:s12] =	ssyncadd.s32 $0xFFFFC180  }
0x18: {  	[tilespmem:s13], [sflag:$0x2] =	stream.linear.gather [hbm4b:s8+s3], $0x3E80, $0x38;
	[tilespmem:$0x1E800] =	vst v63  }
0x19: {  	_ =	swait.ge [sflag:s12], $0x3E80  }
0x1a: {  	[sflag:s12] =	ssyncset.done $0x0  }
0x1b: {  	[sflag:s12] =	ssyncadd.s32 $0xFFFFC180  }
0x1c: {  	s18 =	simm.s32 $0x0;
	[bflag:$0x0] =	sbarrier.arrive $0xFFFF  }
0x1d: {  	[tilespmem:s15], [sflag:$0x1] =	stream.indirect.gather [hbm4b:s4+s14], $0x80, s18, s14, $0xb8;
	[tilespmem:$0x1E800] =	vst v63  }
0x1e: {  	_ =	swait.ge [sflag:s16], $0x2800  }
0x1f: {  	[sflag:s16] =	ssyncset.done $0x0  }
0x20: {  	s31 =	simm.s32 $0x4000;
	[sflag:s16] =	ssyncadd.s32 $0xFFFFD800  }
0x21: {  	[spmem:s1] =	stream.indirect.scatter.add.f32 [tilespmem:s15], [sflag:$0x2], $0x80, s31, s14, $0xb8;
	[tilespmem:$0x1E800] =	vst v63  }
0x22: {  	_ =	swait.ge [sflag:s12], $0x2800  }
0x23: {  	s19 =	simm.s32 $0x400;
	s18 =	simm.s32 $0x200;
	[sflag:s12] =	ssyncset.done $0x0  }
.LBB2_2:
0x24: {  	s20 =	sshra.s32 s18, $0x2  }
0x25: {  	[sflag:s12] =	ssyncadd.s32 $0xFFFFD800;
	s18 =	smov.u32 s19;
	s21 =	sadd.s32 $0x200, s19  }
0x26: {  	[tilespmem:s15], [sflag:$0x1] =	stream.indirect.gather [hbm4b:s4+s14], $0x80, s20, s14, $0xb8;
	[tilespmem:$0x1E800] =	vst v63  }
0x27: {  	p0 =	sne.s32 s19, $0xF800;
	_ =	swait.ge [sflag:s16], $0x2800  }
.Ltmp0:
0x28: {  	[sflag:s16] =	ssyncset.done $0x0;
	(pc) =	sbr.rel @p0 .LBB2_2-.Ltmp0, $4  }
0x29: {  	s19 =	sadd.s32 $0x4000, s20;
	[sflag:s16] =	ssyncadd.s32 $0xFFFFD800  }
0x2a: {  	[spmem:s1] =	stream.indirect.scatter.add.f32 [tilespmem:s15], [sflag:$0x2], $0x80, s19, s14, $0xb8;
	[tilespmem:$0x1E800] =	vst v63  }
0x2b: {  	_ =	swait.ge [sflag:s12], $0x2800  }
0x2c: {  	s19 =	smov.u32 s21;
	[sflag:s12] =	ssyncset.done $0x0  }
0x2d: {  	s18 =	sshra.s32 s18, $0x2;
	[sflag:s12] =	ssyncadd.s32 $0xFFFFD800  }
0x2e: {  	[tilespmem:s15], [sflag:$0x1] =	stream.indirect.gather [hbm4b:s4+s14], $0x80, s18, s14, $0xb8;
	[tilespmem:$0x1E800] =	vst v63  }
0x2f: {  	_ =	swait.ge [sflag:s16], $0x2800  }
0x30: {  	[sflag:s16] =	ssyncset.done $0x0  }
0x31: {  	s18 =	sadd.s32 $0x4000, s18;
	[sflag:s16] =	ssyncadd.s32 $0xFFFFD800  }
0x32: {  	[spmem:s1] =	stream.indirect.scatter.add.f32 [tilespmem:s15], [sflag:$0x2], $0x80, s18, s14, $0xb8;
	[tilespmem:$0x1E800] =	vst v63  }
0x33: {  	_ =	swait.ge [sflag:s12], $0x2800  }
0x34: {  	s17 =	sadd.s32 $0x1, s17;
	[sflag:s12] =	ssyncset.done $0x0  }
0x35: {  	p0 =	sne.s32 s17, s10;
	[sflag:s12] =	ssyncadd.s32 $0xFFFFD800  }
.Ltmp1:
0x36: {  	[bflag:$0x0] =	sbarrier.arrive $0xFFFF;
	(pc) =	sbr.rel @p0 .LBB2_1-.Ltmp1, $4  }
0x37: {  	[hbm:s9], [sflag:s6] =	dma.local [spmem:s11], $0x2800  }
0x38: {  	_ =	swait.ge [sflag:s12], $0x2800  }
0x39: {  	[sflag:s12] =	ssyncset.done $0x0  }
0x3a: {  	[sflag:s12] =	ssyncadd.s32 $0xFFFFD800  }
0x3b: {  	_ =	sfence.sel $0x180000  }
0x3c: {  	[bflag:$0x0] =	sbarrier.arrive $0xFFFF  }
0x3d: {  	p0 =	sne.s32 s2, $0x0;
	_ =	strace $0x9000004A  }
0x3e: {  	s0 =	sadd.s32 @!p0 $0x100000, s0;
	[bflag:$0x2] =	sbarrier.arrive $0xFFFF  }
0x3f: {  	[sflag:s0] =	ssyncadd.tile.s32 @!p0 $0x1;
	_ =	shalt  }
.Lfunc_end2:
_tile_overlayer_lowered:
.L_overlay_start_2:
0x40: {  	(tag) =	ssettag $0x2  }
0x41: {  	s0 =	rddreg [dreg:$0x0];
	s2 =	stileid.u32  }
0x42: {  	s1 =	rddreg [dreg:$0x1];
	p0 =	sne.s32 s2, $0x0  }
0x43: {  	s3 =	rddreg [dreg:$0x2];
	[bflag:$0x3] =	sbarrier.arrive $0xFFFF;
	s2 =	simm.s32 @!p0 $0x1C02  }
0x44: {  	[timem:s3], [sflag:s2] =	dma.local @!p0 [hbm:s0], s1  }
0x45: {  	s0 =	simm.s32 @!p0 $0x2  }
0x46: {  	_ =	swait.ge @!p0 [sflag:s0], s1  }
0x47: {  	s1 =	ssub.s32 @!p0 $0x0, s1;
	[sflag:s0] =	ssyncset.done @!p0 $0x0  }
0x48: {  	[sflag:s0] =	ssyncadd.s32 @!p0 s1  }
0x49: {  	[bflag:$0x3] =	sbarrier.arrive $0xFFFF  }
0x4a: {  	_ =	shalt  }

// kernel: kernel.15.cloned.1.call-start
scs
__scs_entry_jumppad:
0x0: {  	(pc) =	sbr.rel $0x88, $3  }
0x1: {  	(tag) =	ssettag $0x0;
	lr =	simm.s32 $0x1  }
0x2: {  	[smem:$0x3F97] =	sst lr;
	_ =	strace $0xD0000000  }
0x3: {  	_ = 	snop  }
0x4: {  	_ = 	snop  }
0x5: {  	_ = 	snop  }
0x6: {  	_ = 	snop  }
0x7: {  	_ = 	snop  }
__scs_overlays_trampoline_lowered:
0x8: {  	[smem:$0x3FA6] =	sst s0  }
0x9: {  	[smem:$0x3FA7] =	sst s1  }
0xa: {  	[smem:$0x3FA8] =	sst s2  }
0xb: {  	[smem:$0x3FA9] =	sst s3  }
0xc: {  	[smem:$0x3FAA] =	sst s4  }
0xd: {  	[smem:$0x3FAB] =	sst s5  }
0xe: {  	[smem:$0x3FAC] =	sst s6  }
0xf: {  	[smem:$0x3FAD] =	sst s7  }
0x10: {  	[smem:$0x3FAE] =	sst s8  }
0x11: {  	[smem:$0x3FAF] =	sst s9;
	s0 =	simm.s32 @!p0 $0x0  }
0x12: {  	s1 =	sld [smem:$0x3F95];
	s0 =	simm.s32 @p0 $0x1  }
0x13: {  	[smem:$0x3FB0] =	sst s0;
	s0 =	simm.s32 @!p1 $0x0  }
0x14: {  	s2 =	sld [smem:$0x3F94];
	s0 =	simm.s32 @p1 $0x1  }
0x15: {  	[smem:$0x3FB1] =	sst s0;
	s0 =	simm.s32 @!p2 $0x0  }
0x16: {  	s3 =	sld [smem:$0x3FDB];
	s0 =	simm.s32 @p2 $0x1  }
0x17: {  	s4 =	simm.s32 $0x1BF5;
	[smem:$0x3FB3] =	sst s0  }
0x18: {  	s0 =	sld [smem:$0x3F96];
	_ =	swait.ge [sflag:s4], $0x0  }
0x19: {  	s7 =	sld [smem:$0x3F97]  }
0x1a: {  	s8 =	sadd.s32 $0xFFFFE003, lr  }
0x1b: {  	s9 =	sadd.s32 $0xFFFFFEF7, lr;
	s5 =	simm.s32 $0xFFFFFFFF;
	p2 =	slt.u32 s8, $0xFFFFF086  }
0x1c: {  	p1 =	slt.u32 s9, $0xF7A;
	s5 =	simm.s32 @!p2 $0x0  }
0x1d: {  	s5 =	simm.s32 @p1 $0x1;
	p0 =	seq.s32 s7, s2  }
0x1e: {  	s7 =	smul.u32 @!p0 $0xF7A, s2;
	p2 =	seq.s32 @!p0 s5, $0x0  }
0x1f: {  	s9 =	smul.u32 $0xF7A, s1;
	s8 =	simm.s32 @!p0 $0x1BF5;
	p2 =	por !p2, p0  }
0x20: {  	[sflag:s8] =	ssyncset.s32 @!p0 $0xFFFFF086;
	s6 =	sadd.s32 @!p0 s3, s7;
	s7 =	simm.s32 @!p0 $0x108  }
0x21: {  	s3 =	sadd.s32 s3, s9;
	s6 =	sadd.s32 @!p0 $0x88, s6;
	s7 =	simm.s32 @p2 $0x1082  }
0x22: {  	[simem:s7], [sflag:s8] =	dma.local @!p0 [hbm:s6], $0xF7A  }
0x23: {  	s9 =	sor.u32 $0xD0000000, s2;
	s6 =	simm.s32 $0x108;
	_ =	swait.ge @!p0 [sflag:s8], $0x0  }
0x24: {  	s3 =	sadd.s32 $0x88, s3;
	s6 =	simm.s32 @!p1 $0x1082;
	[sflag:s4] =	ssyncset.s32 $0xFFFFF086  }
0x25: {  	[simem:s6], [sflag:s4] =	dma.local [hbm:s3], $0xF7A  }
0x26: {  	[smem:$0x3F97] =	sst s1;
	(tag) =	ssettag s2;
	_ =	strace s9  }
0x27: {  	s1 =	sld [smem:$0x3FA7]  }
0x28: {  	s2 =	sld [smem:$0x3FA8]  }
0x29: {  	s4 =	sld [smem:$0x3FAA]  }
0x2a: {  	p0 =	seq.s32 s5, $0x0;
	s5 =	sld [smem:$0x3FAB]  }
0x2b: {  	s6 =	sld [smem:$0x3FAC]  }
0x2c: {  	s7 =	sld [smem:$0x3FAD]  }
0x2d: {  	s3 =	simm.s32 $0x108;
	s8 =	sld [smem:$0x3FAE]  }
0x2e: {  	s3 =	simm.s32 @!p0 $0x1082;
	s9 =	sld [smem:$0x3FAF]  }
0x2f: {  	lr =	sadd.s32 s0, s3;
	s0 =	sld [smem:$0x3FA6]  }
0x30: {  	s3 =	sld [smem:$0x3FA9]  }
0x31: {  	[smem:$0x3FB2] =	sst s10  }
0x32: {  	s10 =	sld [smem:$0x3FB0];
	_ =	sdelay $0x3  }
0x33: {  	p0 =	seq.s32 s10, $0x1;
	s10 =	sld [smem:$0x3FB2];
	_ =	sdelay $0x3  }
0x34: {  	[smem:$0x3FB2] =	sst s10  }
0x35: {  	s10 =	sld [smem:$0x3FB1];
	_ =	sdelay $0x3  }
0x36: {  	p1 =	seq.s32 s10, $0x1;
	s10 =	sld [smem:$0x3FB2];
	_ =	sdelay $0x3  }
0x37: {  	[smem:$0x3FB2] =	sst s10  }
0x38: {  	s10 =	sld [smem:$0x3FB3]  }
0x39: {  	_ = 	snop;
	(pc) =	sbr.ind lr, $3  }
0x3a: {  	_ = 	snop  }
0x3b: {  	_ = 	snop  }
0x3c: {  	p2 =	seq.s32 s10, $0x1;
	s10 =	sld [smem:$0x3FB2]  }
0x3d: {  	_ =	shalt  }
0x3e: {  	_ =	shalt  }
0x3f: {  	_ =	shalt  }
0x40: {  	_ =	shalt  }
0x41: {  	_ =	shalt  }
0x42: {  	_ =	shalt  }
0x43: {  	_ =	shalt  }
0x44: {  	_ =	shalt  }
0x45: {  	_ =	shalt  }
0x46: {  	_ =	shalt  }
0x47: {  	_ =	shalt  }
0x48: {  	_ =	shalt  }
0x49: {  	_ =	shalt  }
0x4a: {  	_ =	shalt  }
0x4b: {  	_ =	shalt  }
0x4c: {  	_ =	shalt  }
0x4d: {  	_ =	shalt  }
0x4e: {  	_ =	shalt  }
0x4f: {  	_ =	shalt  }
0x50: {  	_ =	shalt  }
0x51: {  	_ =	shalt  }
0x52: {  	_ =	shalt  }
0x53: {  	_ =	shalt  }
0x54: {  	_ =	shalt  }
0x55: {  	_ =	shalt  }
0x56: {  	_ =	shalt  }
0x57: {  	_ =	shalt  }
0x58: {  	_ =	shalt  }
0x59: {  	_ =	shalt  }
0x5a: {  	_ =	shalt  }
0x5b: {  	_ =	shalt  }
0x5c: {  	_ =	shalt  }
0x5d: {  	_ =	shalt  }
0x5e: {  	_ =	shalt  }
0x5f: {  	_ =	shalt  }
0x60: {  	_ =	shalt  }
0x61: {  	_ =	shalt  }
0x62: {  	_ =	shalt  }
0x63: {  	_ =	shalt  }
0x64: {  	_ =	shalt  }
0x65: {  	_ =	shalt  }
0x66: {  	_ =	shalt  }
0x67: {  	_ =	shalt  }
0x68: {  	_ =	shalt  }
0x69: {  	_ =	shalt  }
0x6a: {  	_ =	shalt  }
0x6b: {  	_ =	shalt  }
0x6c: {  	_ =	shalt  }
0x6d: {  	_ =	shalt  }
0x6e: {  	_ =	shalt  }
0x6f: {  	_ =	shalt  }
0x70: {  	_ =	shalt  }
0x71: {  	_ =	shalt  }
0x72: {  	_ =	shalt  }
0x73: {  	_ =	shalt  }
0x74: {  	_ =	shalt  }
0x75: {  	_ =	shalt  }
0x76: {  	_ =	shalt  }
0x77: {  	_ =	shalt  }
0x78: {  	_ =	shalt  }
0x79: {  	_ =	shalt  }
0x7a: {  	_ =	shalt  }
0x7b: {  	_ =	shalt  }
0x7c: {  	_ =	shalt  }
0x7d: {  	_ =	shalt  }
0x7e: {  	_ =	shalt  }
0x7f: {  	_ =	shalt  }
0x80: {  	_ =	shalt  }
0x81: {  	_ =	shalt  }
0x82: {  	_ =	shalt  }
0x83: {  	_ =	shalt  }
0x84: {  	_ =	shalt  }
0x85: {  	_ =	shalt  }
0x86: {  	_ =	shalt  }
0x87: {  	_ =	shalt  }
.Lfunc_end0:
.L_simem_size_0:
called_computation.2_lowered:
.L_overlay_start_0:
0x88: {  	s2 =	sld [smem:$0x3FD9]  }
0x89: {  	s3 =	sld [smem:$0x3FFE];
	_ =	sdelay $0x1  }
0x8a: {  	s1 =	srdreg.scid  }
0x8b: {  	s0 =	sand.u32 $0x1, s1  }
0x8c: {  	s16 =	sshll.u32 s0, $0xA;
	s2 =	sadd.s32 s3, s2  }
0x8d: {  	s2 =	sadd.s32 s2, s16  }
0x8e: {  	[smem:$0x3FBE] =	sst s2  }
0x8f: {  	_ = 	snop  }
0x90: {  	(tm) =	ssettm $0x1  }
0x91: {  	s17 =	sld [smem:$0x3FFB];
	_ =	sdelay $0x3  }
0x92: {  	_ =	strace s17  }
0x93: {  	s2 =	sld [smem:$0x3FFC];
	_ =	sdelay $0x3  }
0x94: {  	_ =	strace s2  }
0x95: {  	s2 =	sld [smem:$0x3FFD];
	_ =	sdelay $0x3  }
0x96: {  	_ =	strace s2  }
0x97: {  	_ =	strace $0x8FFFFFFF  }
0x98: {  	s18 =	sld [smem:$0x3FDB];
	_ =	sdelay $0x1  }
0x99: {  	s19 =	simm.s32 $_scs_section_size  }
0x9a: {  	s4 =	simm.s32 $_size__tile_overlayer_lowered;
	s5 =	simm.s32 $_tile_overlayer_lowered  }
0x9b: {  	s22 =	simm.s32 $0x1BFF;
	s21 =	sshll.u32 s5, $0x1;
	s2 =	sadd.s32 s19, s18  }
0x9c: {  	s6 =	simm.s32 $0x0;
	s20 =	sshll.u32 s4, $0x1;
	s4 =	sadd.s32 s21, s2  }
0x9d: {  	[timem:s6], [sflag:s22] =	dma.local [hbm:s4], s20  }
0x9e: {  	_ =	swait.ge [sflag:s22], s20  }
0x9f: {  	s3 =	ssub.s32 $0x0, s20;
	[sflag:s22] =	ssyncset.done $0x0  }
0xa0: {  	[sflag:s22] =	ssyncadd.s32 s3;
	_ =	sdelay $0x1  }
0xa1: {  	s23 =	simm.s32 $0x1B8B  }
0xa2: {  	_ =	swait.ge [sflag:s23], $0x1  }
0xa3: {  	[sflag:s23] =	ssyncset.done $0x0  }
0xa4: {  	s25 =	simm.s32 $0x1B8E;
	s24 =	sld [smem:$0x3FFE];
	[sflag:s23] =	ssyncadd.s32 $0xFFFFFFFF  }
0xa5: {  	s26 =	simm.s32 $execute0_lowered;
	[smem:$0x3FD2] =	sst s25  }
0xa6: {  	s4 =	sshll.u32 s26, $0x1;
	_ =	strace $0x8000004C;
	[dreg:$0x1] =	wrdreg $0xFFFFFFFF  }
0xa7: {  	s28 =	simm.s32 $_size_execute0_lowered;
	s2 =	sadd.s32 s2, s4;
	[dreg:$0x0] =	wrdreg $0x0  }
0xa8: {  	s4 =	sshll.u32 s28, $0x1;
	[dreg:$0x2] =	wrdreg s2  }
0xa9: {  	[dreg:$0x3] =	wrdreg s4  }
0xaa: {  	[dreg:$0x4] =	wrdreg $0xC0  }
0xab: {  	_ =	task [dreg:s6], $0x5FFFF  }
0xac: {  	[dreg:$0x1] =	wrdreg $0xFFFFFFFF  }
0xad: {  	[dreg:$0x0] =	wrdreg $0x60  }
0xae: {  	[dreg:$0x2] =	wrdreg s24  }
0xaf: {  	[dreg:$0x3] =	wrdreg $0xA8000  }
0xb0: {  	[dreg:$0x4] =	wrdreg $0x9  }
0xb1: {  	_ =	task.clear_ibuf [dreg:s6], $0x5FFFF;
	_ =	strace $0x9000004C  }
0xb2: {  	s29 =	simm.s32 $0x9;
	_ =	strace $0x8000004E  }
0xb3: {  	_ =	swait.ge [sflag:s29], $0x1  }
0xb4: {  	[sflag:s29] =	ssyncadd.s32 $0xFFFFFFFF  }
0xb5: {  	_ =	strace $0x9000004E  }
0xb6: {  	_ =	sfence  }
0xb7: {  	s30 =	sld [smem:$0x0];
	_ =	sdelay $0x2  }
0xb8: {  	s31 =	sshll.u32 s1, $0xD;
	s1 =	sshrl.u32 s1, $0x2  }
0xb9: {  	s3 =	sand.u32 $0x4000, s31;
	s1 =	sadd.s32 s1, s30  }
0xba: {  	s0 =	sor.u32 s3, s0;
	s1 =	sshll.u32 s1, $0x11  }
0xbb: {  	s0 =	sor.u32 s1, s0  }
0xbc: {  	s0 =	sadd.s32 $0x8F2B, s0  }
0xbd: {  	[sflag:s0] =	ssyncadd.remote.s32 $0x1  }
0xbe: {  	_ =	sfence.sel $0xFFFF  }
0xbf: {  	[dreg:$0x0] =	wrdreg $0xFFFFFFFF;
	(pc) =	sbr.abs _section_cstart, $3  }
0xc0: {  	[dreg:$0x1] =	wrdreg $0xFFFFFFFF  }
0xc1: {  	_ =	task.clear_ibuf [dreg:s6], $0x2FFFF;
	_ =	strace $0x9FFFFFFF  }
0xc2: {  	(tm) =	ssettm $0x7FFFFFFF  }
0xc3: {  	_ =	shalt  }
tec
execute0_lowered:
.L_overlay_start_1:
0x0: {  	(tag) =	ssettag $0x1  }
0x1: {  	s5 =	rddreg [dreg:$0x0]  }
0x2: {  	s1 =	rddreg [dreg:$0x1]  }
0x3: {  	s0 =	rddreg [dreg:$0x2];
	s3 =	simm.s32 $0x0;
	s4 =	srdreg.scid  }
0x4: {  	s2 =	stileid.u32;
	s14 =	simm.s32 $0x50;
	s15 =	simm.s32 $0x8000  }
0x5: {  	s16 =	simm.s32 $0x1;
	s17 =	simm.s32 $0x0;
	[smem:$0x7FF] =	sst s3  }
0x6: {  	s6 =	sand.u32 $0x1, s4;
	s7 =	sshll.u32 s2, $0xB;
	s8 =	smul.u32 $0x14000, s2  }
0x7: {  	s29 =	smul.u32 $0x50000, s2;
	s31 =	sshll.u32 s2, $0x6;
	s4 =	sshll.u32 s6, $0xF  }
0x8: {  	_ =	strace $0x8000004D;
	s9 =	smul.u32 $0x140000, s6;
	s6 =	ssub.s32 $0x2, s6  }
0x9: {  	s7 =	sor.u32 s7, s4;
	s4 =	sadd.s32 $0x22600, s5;
	s28 =	sshrl.u32 s8, $0x3  }
0xa: {  	s11 =	sshrl.u32 s6, $0x1;
	s30 =	sshrl.u32 s29, $0x2;
	s10 =	sadd.s32 s7, s5  }
0xb: {  	s8 =	sadd.s32 s8, s9;
	s7 =	sadd.s32 s28, s5;
	s11 =	ssub.s32 s6, s11  }
0xc: {  	s13 =	sadd.s32 s30, s1;
	s6 =	sor.u32 $0x1C02, s31;
	s8 =	sshrl.u32 s8, $0x3  }
0xd: {  	s12 =	sadd.s32 s8, s5;
	s5 =	sadd.s32 $0x49800, s7;
	s7 =	sadd.s32 $0x2600, s10  }
0xe: {  	s8 =	sadd.s32 $0x12600, s10;
	s10 =	smax.u32 s11, $0x1;
	s11 =	sshrl.u32 s13, $0x3  }
0xf: {  	s13 =	simm.s32 $0x4000;
	s9 =	sadd.s32 $0x71800, s12;
	s12 =	simm.s32 $0x2  }
.LBB2_1:
0x10: {  	[spmem:s11], [sflag:s6] =	dma.local [hbm:s5], $0x2800  }
0x11: {  	_ =	swait.ge [sflag:s12], $0x2800  }
0x12: {  	[sflag:s12] =	ssyncset.done $0x0  }
0x13: {  	[sflag:s12] =	ssyncadd.s32 $0xFFFFD800  }
0x14: {  	[tilespmem:s3], [sflag:$0x2] =	stream.linear.gather [hbm4b:s7+s3], $0x3E80, $0x38;
	[tilespmem:$0x1E800] =	vst v63  }
0x15: {  	_ =	swait.ge [sflag:s12], $0x3E80  }
0x16: {  	[sflag:s12] =	ssyncset.done $0x0  }
0x17: {  	[sflag:s12] =	ssyncadd.s32 $0xFFFFC180  }
0x18: {  	[tilespmem:s13], [sflag:$0x2] =	stream.linear.gather [hbm4b:s8+s3], $0x3E80, $0x38;
	[tilespmem:$0x1E800] =	vst v63  }
0x19: {  	_ =	swait.ge [sflag:s12], $0x3E80  }
0x1a: {  	[sflag:s12] =	ssyncset.done $0x0  }
0x1b: {  	[sflag:s12] =	ssyncadd.s32 $0xFFFFC180  }
0x1c: {  	s18 =	simm.s32 $0x0;
	[bflag:$0x0] =	sbarrier.arrive $0xFFFF  }
0x1d: {  	[tilespmem:s15], [sflag:$0x1] =	stream.indirect.gather [hbm4b:s4+s14], $0x80, s18, s14, $0xb8;
	[tilespmem:$0x1E800] =	vst v63  }
0x1e: {  	_ =	swait.ge [sflag:s16], $0x2800  }
0x1f: {  	[sflag:s16] =	ssyncset.done $0x0  }
0x20: {  	s31 =	simm.s32 $0x4000;
	[sflag:s16] =	ssyncadd.s32 $0xFFFFD800  }
0x21: {  	[spmem:s1] =	stream.indirect.scatter.add.f32 [tilespmem:s15], [sflag:$0x2], $0x80, s31, s14, $0xb8;
	[tilespmem:$0x1E800] =	vst v63  }
0x22: {  	_ =	swait.ge [sflag:s12], $0x2800  }
0x23: {  	s19 =	simm.s32 $0x400;
	s18 =	simm.s32 $0x200;
	[sflag:s12] =	ssyncset.done $0x0  }
.LBB2_2:
0x24: {  	s20 =	sshra.s32 s18, $0x2  }
0x25: {  	[sflag:s12] =	ssyncadd.s32 $0xFFFFD800;
	s18 =	smov.u32 s19;
	s21 =	sadd.s32 $0x200, s19  }
0x26: {  	[tilespmem:s15], [sflag:$0x1] =	stream.indirect.gather [hbm4b:s4+s14], $0x80, s20, s14, $0xb8;
	[tilespmem:$0x1E800] =	vst v63  }
0x27: {  	p0 =	sne.s32 s19, $0xF800;
	_ =	swait.ge [sflag:s16], $0x2800  }
.Ltmp0:
0x28: {  	[sflag:s16] =	ssyncset.done $0x0;
	(pc) =	sbr.rel @p0 .LBB2_2-.Ltmp0, $4  }
0x29: {  	s19 =	sadd.s32 $0x4000, s20;
	[sflag:s16] =	ssyncadd.s32 $0xFFFFD800  }
0x2a: {  	[spmem:s1] =	stream.indirect.scatter.add.f32 [tilespmem:s15], [sflag:$0x2], $0x80, s19, s14, $0xb8;
	[tilespmem:$0x1E800] =	vst v63  }
0x2b: {  	_ =	swait.ge [sflag:s12], $0x2800  }
0x2c: {  	s19 =	smov.u32 s21;
	[sflag:s12] =	ssyncset.done $0x0  }
0x2d: {  	s18 =	sshra.s32 s18, $0x2;
	[sflag:s12] =	ssyncadd.s32 $0xFFFFD800  }
0x2e: {  	[tilespmem:s15], [sflag:$0x1] =	stream.indirect.gather [hbm4b:s4+s14], $0x80, s18, s14, $0xb8;
	[tilespmem:$0x1E800] =	vst v63  }
0x2f: {  	_ =	swait.ge [sflag:s16], $0x2800  }
0x30: {  	[sflag:s16] =	ssyncset.done $0x0  }
0x31: {  	s18 =	sadd.s32 $0x4000, s18;
	[sflag:s16] =	ssyncadd.s32 $0xFFFFD800  }
0x32: {  	[spmem:s1] =	stream.indirect.scatter.add.f32 [tilespmem:s15], [sflag:$0x2], $0x80, s18, s14, $0xb8;
	[tilespmem:$0x1E800] =	vst v63  }
0x33: {  	_ =	swait.ge [sflag:s12], $0x2800  }
0x34: {  	s17 =	sadd.s32 $0x1, s17;
	[sflag:s12] =	ssyncset.done $0x0  }
0x35: {  	p0 =	sne.s32 s17, s10;
	[sflag:s12] =	ssyncadd.s32 $0xFFFFD800  }
.Ltmp1:
0x36: {  	[bflag:$0x0] =	sbarrier.arrive $0xFFFF;
	(pc) =	sbr.rel @p0 .LBB2_1-.Ltmp1, $4  }
0x37: {  	[hbm:s9], [sflag:s6] =	dma.local [spmem:s11], $0x2800  }
0x38: {  	_ =	swait.ge [sflag:s12], $0x2800  }
0x39: {  	[sflag:s12] =	ssyncset.done $0x0  }
0x3a: {  	[sflag:s12] =	ssyncadd.s32 $0xFFFFD800  }
0x3b: {  	_ =	sfence.sel $0x180000  }
0x3c: {  	[bflag:$0x0] =	sbarrier.arrive $0xFFFF  }
0x3d: {  	p0 =	sne.s32 s2, $0x0;
	_ =	strace $0x9000004D  }
0x3e: {  	s0 =	sadd.s32 @!p0 $0x100000, s0;
	[bflag:$0x2] =	sbarrier.arrive $0xFFFF  }
0x3f: {  	[sflag:s0] =	ssyncadd.tile.s32 @!p0 $0x1;
	_ =	shalt  }
.Lfunc_end2:
_tile_overlayer_lowered:
.L_overlay_start_2:
0x40: {  	(tag) =	ssettag $0x2  }
0x41: {  	s0 =	rddreg [dreg:$0x0];
	s2 =	stileid.u32  }
0x42: {  	s1 =	rddreg [dreg:$0x1];
	p0 =	sne.s32 s2, $0x0  }
0x43: {  	s3 =	rddreg [dreg:$0x2];
	[bflag:$0x3] =	sbarrier.arrive $0xFFFF;
	s2 =	simm.s32 @!p0 $0x1C02  }
0x44: {  	[timem:s3], [sflag:s2] =	dma.local @!p0 [hbm:s0], s1  }
0x45: {  	s0 =	simm.s32 @!p0 $0x2  }
0x46: {  	_ =	swait.ge @!p0 [sflag:s0], s1  }
0x47: {  	s1 =	ssub.s32 @!p0 $0x0, s1;
	[sflag:s0] =	ssyncset.done @!p0 $0x0  }
0x48: {  	[sflag:s0] =	ssyncadd.s32 @!p0 s1  }
0x49: {  	[bflag:$0x3] =	sbarrier.arrive $0xFFFF  }
0x4a: {  	_ =	shalt  }

// kernel: kernel.9.cloned.1.call-start
scs
__scs_entry_jumppad:
0x0: {  	(pc) =	sbr.rel $0x88, $3  }
0x1: {  	(tag) =	ssettag $0x0;
	lr =	simm.s32 $0x1  }
0x2: {  	[smem:$0x3F97] =	sst lr;
	_ =	strace $0xD0000000  }
0x3: {  	_ = 	snop  }
0x4: {  	_ = 	snop  }
0x5: {  	_ = 	snop  }
0x6: {  	_ = 	snop  }
0x7: {  	_ = 	snop  }
__scs_overlays_trampoline_lowered:
0x8: {  	[smem:$0x3FA6] =	sst s0  }
0x9: {  	[smem:$0x3FA7] =	sst s1  }
0xa: {  	[smem:$0x3FA8] =	sst s2  }
0xb: {  	[smem:$0x3FA9] =	sst s3  }
0xc: {  	[smem:$0x3FAA] =	sst s4  }
0xd: {  	[smem:$0x3FAB] =	sst s5  }
0xe: {  	[smem:$0x3FAC] =	sst s6  }
0xf: {  	[smem:$0x3FAD] =	sst s7  }
0x10: {  	[smem:$0x3FAE] =	sst s8  }
0x11: {  	[smem:$0x3FAF] =	sst s9;
	s0 =	simm.s32 @!p0 $0x0  }
0x12: {  	s1 =	sld [smem:$0x3F95];
	s0 =	simm.s32 @p0 $0x1  }
0x13: {  	[smem:$0x3FB0] =	sst s0;
	s0 =	simm.s32 @!p1 $0x0  }
0x14: {  	s2 =	sld [smem:$0x3F94];
	s0 =	simm.s32 @p1 $0x1  }
0x15: {  	[smem:$0x3FB1] =	sst s0;
	s0 =	simm.s32 @!p2 $0x0  }
0x16: {  	s3 =	sld [smem:$0x3FDB];
	s0 =	simm.s32 @p2 $0x1  }
0x17: {  	s4 =	simm.s32 $0x1BF5;
	[smem:$0x3FB3] =	sst s0  }
0x18: {  	s0 =	sld [smem:$0x3F96];
	_ =	swait.ge [sflag:s4], $0x0  }
0x19: {  	s7 =	sld [smem:$0x3F97]  }
0x1a: {  	s8 =	sadd.s32 $0xFFFFE003, lr  }
0x1b: {  	s9 =	sadd.s32 $0xFFFFFEF7, lr;
	s5 =	simm.s32 $0xFFFFFFFF;
	p2 =	slt.u32 s8, $0xFFFFF086  }
0x1c: {  	p1 =	slt.u32 s9, $0xF7A;
	s5 =	simm.s32 @!p2 $0x0  }
0x1d: {  	s5 =	simm.s32 @p1 $0x1;
	p0 =	seq.s32 s7, s2  }
0x1e: {  	s7 =	smul.u32 @!p0 $0xF7A, s2;
	p2 =	seq.s32 @!p0 s5, $0x0  }
0x1f: {  	s9 =	smul.u32 $0xF7A, s1;
	s8 =	simm.s32 @!p0 $0x1BF5;
	p2 =	por !p2, p0  }
0x20: {  	[sflag:s8] =	ssyncset.s32 @!p0 $0xFFFFF086;
	s6 =	sadd.s32 @!p0 s3, s7;
	s7 =	simm.s32 @!p0 $0x108  }
0x21: {  	s3 =	sadd.s32 s3, s9;
	s6 =	sadd.s32 @!p0 $0x88, s6;
	s7 =	simm.s32 @p2 $0x1082  }
0x22: {  	[simem:s7], [sflag:s8] =	dma.local @!p0 [hbm:s6], $0xF7A  }
0x23: {  	s9 =	sor.u32 $0xD0000000, s2;
	s6 =	simm.s32 $0x108;
	_ =	swait.ge @!p0 [sflag:s8], $0x0  }
0x24: {  	s3 =	sadd.s32 $0x88, s3;
	s6 =	simm.s32 @!p1 $0x1082;
	[sflag:s4] =	ssyncset.s32 $0xFFFFF086  }
0x25: {  	[simem:s6], [sflag:s4] =	dma.local [hbm:s3], $0xF7A  }
0x26: {  	[smem:$0x3F97] =	sst s1;
	(tag) =	ssettag s2;
	_ =	strace s9  }
0x27: {  	s1 =	sld [smem:$0x3FA7]  }
0x28: {  	s2 =	sld [smem:$0x3FA8]  }
0x29: {  	s4 =	sld [smem:$0x3FAA]  }
0x2a: {  	p0 =	seq.s32 s5, $0x0;
	s5 =	sld [smem:$0x3FAB]  }
0x2b: {  	s6 =	sld [smem:$0x3FAC]  }
0x2c: {  	s7 =	sld [smem:$0x3FAD]  }
0x2d: {  	s3 =	simm.s32 $0x108;
	s8 =	sld [smem:$0x3FAE]  }
0x2e: {  	s3 =	simm.s32 @!p0 $0x1082;
	s9 =	sld [smem:$0x3FAF]  }
0x2f: {  	lr =	sadd.s32 s0, s3;
	s0 =	sld [smem:$0x3FA6]  }
0x30: {  	s3 =	sld [smem:$0x3FA9]  }
0x31: {  	[smem:$0x3FB2] =	sst s10  }
0x32: {  	s10 =	sld [smem:$0x3FB0];
	_ =	sdelay $0x3  }
0x33: {  	p0 =	seq.s32 s10, $0x1;
	s10 =	sld [smem:$0x3FB2];
	_ =	sdelay $0x3  }
0x34: {  	[smem:$0x3FB2] =	sst s10  }
0x35: {  	s10 =	sld [smem:$0x3FB1];
	_ =	sdelay $0x3  }
0x36: {  	p1 =	seq.s32 s10, $0x1;
	s10 =	sld [smem:$0x3FB2];
	_ =	sdelay $0x3  }
0x37: {  	[smem:$0x3FB2] =	sst s10  }
0x38: {  	s10 =	sld [smem:$0x3FB3]  }
0x39: {  	_ = 	snop;
	(pc) =	sbr.ind lr, $3  }
0x3a: {  	_ = 	snop  }
0x3b: {  	_ = 	snop  }
0x3c: {  	p2 =	seq.s32 s10, $0x1;
	s10 =	sld [smem:$0x3FB2]  }
0x3d: {  	_ =	shalt  }
0x3e: {  	_ =	shalt  }
0x3f: {  	_ =	shalt  }
0x40: {  	_ =	shalt  }
0x41: {  	_ =	shalt  }
0x42: {  	_ =	shalt  }
0x43: {  	_ =	shalt  }
0x44: {  	_ =	shalt  }
0x45: {  	_ =	shalt  }
0x46: {  	_ =	shalt  }
0x47: {  	_ =	shalt  }
0x48: {  	_ =	shalt  }
0x49: {  	_ =	shalt  }
0x4a: {  	_ =	shalt  }
0x4b: {  	_ =	shalt  }
0x4c: {  	_ =	shalt  }
0x4d: {  	_ =	shalt  }
0x4e: {  	_ =	shalt  }
0x4f: {  	_ =	shalt  }
0x50: {  	_ =	shalt  }
0x51: {  	_ =	shalt  }
0x52: {  	_ =	shalt  }
0x53: {  	_ =	shalt  }
0x54: {  	_ =	shalt  }
0x55: {  	_ =	shalt  }
0x56: {  	_ =	shalt  }
0x57: {  	_ =	shalt  }
0x58: {  	_ =	shalt  }
0x59: {  	_ =	shalt  }
0x5a: {  	_ =	shalt  }
0x5b: {  	_ =	shalt  }
0x5c: {  	_ =	shalt  }
0x5d: {  	_ =	shalt  }
0x5e: {  	_ =	shalt  }
0x5f: {  	_ =	shalt  }
0x60: {  	_ =	shalt  }
0x61: {  	_ =	shalt  }
0x62: {  	_ =	shalt  }
0x63: {  	_ =	shalt  }
0x64: {  	_ =	shalt  }
0x65: {  	_ =	shalt  }
0x66: {  	_ =	shalt  }
0x67: {  	_ =	shalt  }
0x68: {  	_ =	shalt  }
0x69: {  	_ =	shalt  }
0x6a: {  	_ =	shalt  }
0x6b: {  	_ =	shalt  }
0x6c: {  	_ =	shalt  }
0x6d: {  	_ =	shalt  }
0x6e: {  	_ =	shalt  }
0x6f: {  	_ =	shalt  }
0x70: {  	_ =	shalt  }
0x71: {  	_ =	shalt  }
0x72: {  	_ =	shalt  }
0x73: {  	_ =	shalt  }
0x74: {  	_ =	shalt  }
0x75: {  	_ =	shalt  }
0x76: {  	_ =	shalt  }
0x77: {  	_ =	shalt  }
0x78: {  	_ =	shalt  }
0x79: {  	_ =	shalt  }
0x7a: {  	_ =	shalt  }
0x7b: {  	_ =	shalt  }
0x7c: {  	_ =	shalt  }
0x7d: {  	_ =	shalt  }
0x7e: {  	_ =	shalt  }
0x7f: {  	_ =	shalt  }
0x80: {  	_ =	shalt  }
0x81: {  	_ =	shalt  }
0x82: {  	_ =	shalt  }
0x83: {  	_ =	shalt  }
0x84: {  	_ =	shalt  }
0x85: {  	_ =	shalt  }
0x86: {  	_ =	shalt  }
0x87: {  	_ =	shalt  }
.Lfunc_end0:
.L_simem_size_0:
called_computation_lowered:
.L_overlay_start_0:
0x88: {  	s2 =	sld [smem:$0x3FD9]  }
0x89: {  	s3 =	sld [smem:$0x3FFE];
	_ =	sdelay $0x1  }
0x8a: {  	s1 =	srdreg.scid  }
0x8b: {  	s0 =	sand.u32 $0x1, s1  }
0x8c: {  	s16 =	sshll.u32 s0, $0xA;
	s2 =	sadd.s32 s3, s2  }
0x8d: {  	s2 =	sadd.s32 s2, s16  }
0x8e: {  	[smem:$0x3FBE] =	sst s2  }
0x8f: {  	_ = 	snop  }
0x90: {  	(tm) =	ssettm $0x1  }
0x91: {  	s17 =	sld [smem:$0x3FFB];
	_ =	sdelay $0x3  }
0x92: {  	_ =	strace s17  }
0x93: {  	s2 =	sld [smem:$0x3FFC];
	_ =	sdelay $0x3  }
0x94: {  	_ =	strace s2  }
0x95: {  	s2 =	sld [smem:$0x3FFD];
	_ =	sdelay $0x3  }
0x96: {  	_ =	strace s2  }
0x97: {  	_ =	strace $0x8FFFFFFF  }
0x98: {  	s18 =	sld [smem:$0x3FDB];
	_ =	sdelay $0x1  }
0x99: {  	s19 =	simm.s32 $_scs_section_size  }
0x9a: {  	s4 =	simm.s32 $_size__tile_overlayer_lowered;
	s5 =	simm.s32 $_tile_overlayer_lowered  }
0x9b: {  	s22 =	simm.s32 $0x1BFF;
	s21 =	sshll.u32 s5, $0x1;
	s2 =	sadd.s32 s19, s18  }
0x9c: {  	s6 =	simm.s32 $0x0;
	s20 =	sshll.u32 s4, $0x1;
	s4 =	sadd.s32 s21, s2  }
0x9d: {  	[timem:s6], [sflag:s22] =	dma.local [hbm:s4], s20  }
0x9e: {  	_ =	swait.ge [sflag:s22], s20  }
0x9f: {  	s3 =	ssub.s32 $0x0, s20;
	[sflag:s22] =	ssyncset.done $0x0  }
0xa0: {  	[sflag:s22] =	ssyncadd.s32 s3;
	_ =	sdelay $0x1  }
0xa1: {  	s23 =	simm.s32 $0x1B8B  }
0xa2: {  	_ =	swait.ge [sflag:s23], $0x1  }
0xa3: {  	[sflag:s23] =	ssyncset.done $0x0  }
0xa4: {  	s25 =	simm.s32 $0x1B8E;
	s24 =	sld [smem:$0x3FFE];
	[sflag:s23] =	ssyncadd.s32 $0xFFFFFFFF  }
0xa5: {  	s26 =	simm.s32 $execute0_lowered;
	[smem:$0x3FD2] =	sst s25  }
0xa6: {  	s4 =	sshll.u32 s26, $0x1;
	_ =	strace $0x80000046;
	[dreg:$0x1] =	wrdreg $0xFFFFFFFF  }
0xa7: {  	s28 =	simm.s32 $_size_execute0_lowered;
	s2 =	sadd.s32 s2, s4;
	[dreg:$0x0] =	wrdreg $0x0  }
0xa8: {  	s4 =	sshll.u32 s28, $0x1;
	[dreg:$0x2] =	wrdreg s2  }
0xa9: {  	[dreg:$0x3] =	wrdreg s4  }
0xaa: {  	[dreg:$0x4] =	wrdreg $0xC0  }
0xab: {  	_ =	task [dreg:s6], $0x5FFFF  }
0xac: {  	[dreg:$0x1] =	wrdreg $0xFFFFFFFF  }
0xad: {  	[dreg:$0x0] =	wrdreg $0x60  }
0xae: {  	[dreg:$0x2] =	wrdreg s24  }
0xaf: {  	[dreg:$0x3] =	wrdreg $0xA8000  }
0xb0: {  	[dreg:$0x4] =	wrdreg $0x9  }
0xb1: {  	_ =	task.clear_ibuf [dreg:s6], $0x5FFFF;
	_ =	strace $0x90000046  }
0xb2: {  	s29 =	simm.s32 $0x9;
	_ =	strace $0x80000048  }
0xb3: {  	_ =	swait.ge [sflag:s29], $0x1  }
0xb4: {  	[sflag:s29] =	ssyncadd.s32 $0xFFFFFFFF  }
0xb5: {  	_ =	strace $0x90000048  }
0xb6: {  	_ =	sfence  }
0xb7: {  	s30 =	sld [smem:$0x0];
	_ =	sdelay $0x2  }
0xb8: {  	s31 =	sshll.u32 s1, $0xD;
	s1 =	sshrl.u32 s1, $0x2  }
0xb9: {  	s3 =	sand.u32 $0x4000, s31;
	s1 =	sadd.s32 s1, s30  }
0xba: {  	s0 =	sor.u32 s3, s0;
	s1 =	sshll.u32 s1, $0x11  }
0xbb: {  	s0 =	sor.u32 s1, s0  }
0xbc: {  	s0 =	sadd.s32 $0x8F2B, s0  }
0xbd: {  	[sflag:s0] =	ssyncadd.remote.s32 $0x1  }
0xbe: {  	_ =	sfence.sel $0xFFFF  }
0xbf: {  	[dreg:$0x0] =	wrdreg $0xFFFFFFFF;
	(pc) =	sbr.abs _section_cstart, $3  }
0xc0: {  	[dreg:$0x1] =	wrdreg $0xFFFFFFFF  }
0xc1: {  	_ =	task.clear_ibuf [dreg:s6], $0x2FFFF;
	_ =	strace $0x9FFFFFFF  }
0xc2: {  	(tm) =	ssettm $0x7FFFFFFF  }
0xc3: {  	_ =	shalt  }
tec
execute0_lowered:
.L_overlay_start_1:
0x0: {  	(tag) =	ssettag $0x1  }
0x1: {  	s5 =	rddreg [dreg:$0x0]  }
0x2: {  	s1 =	rddreg [dreg:$0x1]  }
0x3: {  	s0 =	rddreg [dreg:$0x2];
	s3 =	simm.s32 $0x0;
	s4 =	srdreg.scid  }
0x4: {  	s2 =	stileid.u32;
	s14 =	simm.s32 $0x50;
	s15 =	simm.s32 $0x8000  }
0x5: {  	s16 =	simm.s32 $0x1;
	s17 =	simm.s32 $0x0;
	[smem:$0x7FF] =	sst s3  }
0x6: {  	s6 =	sand.u32 $0x1, s4;
	s7 =	sshll.u32 s2, $0xB;
	s8 =	smul.u32 $0x14000, s2  }
0x7: {  	s29 =	smul.u32 $0x50000, s2;
	s31 =	sshll.u32 s2, $0x6;
	s4 =	sshll.u32 s6, $0xF  }
0x8: {  	_ =	strace $0x80000047;
	s9 =	smul.u32 $0x140000, s6;
	s6 =	ssub.s32 $0x2, s6  }
0x9: {  	s7 =	sor.u32 s7, s4;
	s4 =	sadd.s32 $0x22600, s5;
	s28 =	sshrl.u32 s8, $0x3  }
0xa: {  	s11 =	sshrl.u32 s6, $0x1;
	s30 =	sshrl.u32 s29, $0x2;
	s10 =	sadd.s32 s7, s5  }
0xb: {  	s8 =	sadd.s32 s8, s9;
	s7 =	sadd.s32 s28, s5;
	s11 =	ssub.s32 s6, s11  }
0xc: {  	s13 =	sadd.s32 s30, s1;
	s6 =	sor.u32 $0x1C02, s31;
	s8 =	sshrl.u32 s8, $0x3  }
0xd: {  	s12 =	sadd.s32 s8, s5;
	s5 =	sadd.s32 $0x49800, s7;
	s7 =	sadd.s32 $0x2600, s10  }
0xe: {  	s8 =	sadd.s32 $0x12600, s10;
	s10 =	smax.u32 s11, $0x1;
	s11 =	sshrl.u32 s13, $0x3  }
0xf: {  	s13 =	simm.s32 $0x4000;
	s9 =	sadd.s32 $0x71800, s12;
	s12 =	simm.s32 $0x2  }
.LBB2_1:
0x10: {  	[spmem:s11], [sflag:s6] =	dma.local [hbm:s5], $0x2800  }
0x11: {  	_ =	swait.ge [sflag:s12], $0x2800  }
0x12: {  	[sflag:s12] =	ssyncset.done $0x0  }
0x13: {  	[sflag:s12] =	ssyncadd.s32 $0xFFFFD800  }
0x14: {  	[tilespmem:s3], [sflag:$0x2] =	stream.linear.gather [hbm4b:s7+s3], $0x3E80, $0x38;
	[tilespmem:$0x1E800] =	vst v63  }
0x15: {  	_ =	swait.ge [sflag:s12], $0x3E80  }
0x16: {  	[sflag:s12] =	ssyncset.done $0x0  }
0x17: {  	[sflag:s12] =	ssyncadd.s32 $0xFFFFC180  }
0x18: {  	[tilespmem:s13], [sflag:$0x2] =	stream.linear.gather [hbm4b:s8+s3], $0x3E80, $0x38;
	[tilespmem:$0x1E800] =	vst v63  }
0x19: {  	_ =	swait.ge [sflag:s12], $0x3E80  }
0x1a: {  	[sflag:s12] =	ssyncset.done $0x0  }
0x1b: {  	[sflag:s12] =	ssyncadd.s32 $0xFFFFC180  }
0x1c: {  	s18 =	simm.s32 $0x0;
	[bflag:$0x0] =	sbarrier.arrive $0xFFFF  }
0x1d: {  	[tilespmem:s15], [sflag:$0x1] =	stream.indirect.gather [hbm4b:s4+s14], $0x80, s18, s14, $0xb8;
	[tilespmem:$0x1E800] =	vst v63  }
0x1e: {  	_ =	swait.ge [sflag:s16], $0x2800  }
0x1f: {  	[sflag:s16] =	ssyncset.done $0x0  }
0x20: {  	s31 =	simm.s32 $0x4000;
	[sflag:s16] =	ssyncadd.s32 $0xFFFFD800  }
0x21: {  	[spmem:s1] =	stream.indirect.scatter.add.f32 [tilespmem:s15], [sflag:$0x2], $0x80, s31, s14, $0xb8;
	[tilespmem:$0x1E800] =	vst v63  }
0x22: {  	_ =	swait.ge [sflag:s12], $0x2800  }
0x23: {  	s19 =	simm.s32 $0x400;
	s18 =	simm.s32 $0x200;
	[sflag:s12] =	ssyncset.done $0x0  }
.LBB2_2:
0x24: {  	s20 =	sshra.s32 s18, $0x2  }
0x25: {  	[sflag:s12] =	ssyncadd.s32 $0xFFFFD800;
	s18 =	smov.u32 s19;
	s21 =	sadd.s32 $0x200, s19  }
0x26: {  	[tilespmem:s15], [sflag:$0x1] =	stream.indirect.gather [hbm4b:s4+s14], $0x80, s20, s14, $0xb8;
	[tilespmem:$0x1E800] =	vst v63  }
0x27: {  	p0 =	sne.s32 s19, $0xF800;
	_ =	swait.ge [sflag:s16], $0x2800  }
.Ltmp0:
0x28: {  	[sflag:s16] =	ssyncset.done $0x0;
	(pc) =	sbr.rel @p0 .LBB2_2-.Ltmp0, $4  }
0x29: {  	s19 =	sadd.s32 $0x4000, s20;
	[sflag:s16] =	ssyncadd.s32 $0xFFFFD800  }
0x2a: {  	[spmem:s1] =	stream.indirect.scatter.add.f32 [tilespmem:s15], [sflag:$0x2], $0x80, s19, s14, $0xb8;
	[tilespmem:$0x1E800] =	vst v63  }
0x2b: {  	_ =	swait.ge [sflag:s12], $0x2800  }
0x2c: {  	s19 =	smov.u32 s21;
	[sflag:s12] =	ssyncset.done $0x0  }
0x2d: {  	s18 =	sshra.s32 s18, $0x2;
	[sflag:s12] =	ssyncadd.s32 $0xFFFFD800  }
0x2e: {  	[tilespmem:s15], [sflag:$0x1] =	stream.indirect.gather [hbm4b:s4+s14], $0x80, s18, s14, $0xb8;
	[tilespmem:$0x1E800] =	vst v63  }
0x2f: {  	_ =	swait.ge [sflag:s16], $0x2800  }
0x30: {  	[sflag:s16] =	ssyncset.done $0x0  }
0x31: {  	s18 =	sadd.s32 $0x4000, s18;
	[sflag:s16] =	ssyncadd.s32 $0xFFFFD800  }
0x32: {  	[spmem:s1] =	stream.indirect.scatter.add.f32 [tilespmem:s15], [sflag:$0x2], $0x80, s18, s14, $0xb8;
	[tilespmem:$0x1E800] =	vst v63  }
0x33: {  	_ =	swait.ge [sflag:s12], $0x2800  }
0x34: {  	s17 =	sadd.s32 $0x1, s17;
	[sflag:s12] =	ssyncset.done $0x0  }
0x35: {  	p0 =	sne.s32 s17, s10;
	[sflag:s12] =	ssyncadd.s32 $0xFFFFD800  }
.Ltmp1:
0x36: {  	[bflag:$0x0] =	sbarrier.arrive $0xFFFF;
	(pc) =	sbr.rel @p0 .LBB2_1-.Ltmp1, $4  }
0x37: {  	[hbm:s9], [sflag:s6] =	dma.local [spmem:s11], $0x2800  }
0x38: {  	_ =	swait.ge [sflag:s12], $0x2800  }
0x39: {  	[sflag:s12] =	ssyncset.done $0x0  }
0x3a: {  	[sflag:s12] =	ssyncadd.s32 $0xFFFFD800  }
0x3b: {  	_ =	sfence.sel $0x180000  }
0x3c: {  	[bflag:$0x0] =	sbarrier.arrive $0xFFFF  }
0x3d: {  	p0 =	sne.s32 s2, $0x0;
	_ =	strace $0x90000047  }
0x3e: {  	s0 =	sadd.s32 @!p0 $0x100000, s0;
	[bflag:$0x2] =	sbarrier.arrive $0xFFFF  }
0x3f: {  	[sflag:s0] =	ssyncadd.tile.s32 @!p0 $0x1;
	_ =	shalt  }
.Lfunc_end2:
_tile_overlayer_lowered:
.L_overlay_start_2:
0x40: {  	(tag) =	ssettag $0x2  }
0x41: {  	s0 =	rddreg [dreg:$0x0];
	s2 =	stileid.u32  }
0x42: {  	s1 =	rddreg [dreg:$0x1];
	p0 =	sne.s32 s2, $0x0  }
0x43: {  	s3 =	rddreg [dreg:$0x2];
	[bflag:$0x3] =	sbarrier.arrive $0xFFFF;
	s2 =	simm.s32 @!p0 $0x1C02  }
0x44: {  	[timem:s3], [sflag:s2] =	dma.local @!p0 [hbm:s0], s1  }
0x45: {  	s0 =	simm.s32 @!p0 $0x2  }
0x46: {  	_ =	swait.ge @!p0 [sflag:s0], s1  }
0x47: {  	s1 =	ssub.s32 @!p0 $0x0, s1;
	[sflag:s0] =	ssyncset.done @!p0 $0x0  }
0x48: {  	[sflag:s0] =	ssyncadd.s32 @!p0 s1  }
0x49: {  	[bflag:$0x3] =	sbarrier.arrive $0xFFFF  }
0x4a: {  	_ =	shalt  }

</sc_bundles>
